<compile_context>
chip_gen: v7x
topology: tpu7x:2x2x1
jax: 0.10.2.dev20260603
libtpu: 0.0.44.dev20260713+nightly
codegen_flags: <defaults>
</compile_context>

<pallas_src>
import functools

import jax
import jax.numpy as jnp
from jax import lax
from jax.experimental import pallas as pl
from jax.experimental.pallas import tpu as pltpu
from jax.experimental.pallas import tpu_sc as plsc

ALPHA = 1.702
LIMIT = 7.0
TM = 128


def _gmm_body(tid_ref, gid_ref, valid_ref, off_ref,
              hs_ref, rw_ref, wgu_ref, bgu_ref, wd_ref, bd_ref,
              out_ref):
    i = pl.program_id(0)
    g = gid_ref[i]
    mt = tid_ref[i]

    lo = off_ref[g]
    hi = off_ref[g + 1]
    r0 = mt * TM
    row = lax.broadcasted_iota(jnp.int32, (TM, 1), 0) + r0
    active = (row >= lo) & (row < hi) & (valid_ref[i] > 0)

    EP = rw_ref.shape[1]
    onehot = (lax.broadcasted_iota(jnp.int32, (EP, 1), 0) == g).astype(
        jnp.float32)
    wsel = jnp.dot(rw_ref[...], onehot, preferred_element_type=jnp.float32)
    w_col = jnp.where(active, wsel, 0.0)

    ED2 = bgu_ref.shape[-1]
    ED = ED2 // 2
    gu = jnp.dot(hs_ref[...], wgu_ref[0], preferred_element_type=jnp.float32)
    gu = gu + bgu_ref[0]
    ir = lax.broadcasted_iota(jnp.int32, (ED2, ED), 0)
    ic = lax.broadcasted_iota(jnp.int32, (ED2, ED), 1)
    sg = (ir == 2 * ic).astype(jnp.float32)
    su = (ir == 2 * ic + 1).astype(jnp.float32)
    gate = jnp.minimum(jnp.dot(gu, sg, preferred_element_type=jnp.float32),
                       LIMIT)
    up = jnp.clip(jnp.dot(gu, su, preferred_element_type=jnp.float32),
                  -LIMIT, LIMIT)
    glu = gate * jax.nn.sigmoid(gate * ALPHA)
    fused = (up + 1.0) * glu

    contrib = jnp.dot(w_col * fused, wd_ref[0],
                      preferred_element_type=jnp.float32)
    contrib = contrib + w_col * bd_ref[0]

    prev = tid_ref[jnp.maximum(i - 1, 0)]
    first = (i == 0) | (mt != prev)

    @pl.when(first)
    def _():
        out_ref[...] = contrib

    @pl.when(jnp.logical_not(first))
    def _():
        out_ref[...] += contrib


def _gmm_call(tid, gid, valid, off, hs_s, rw_s, wgu, bgu, wd, bd):
    T, H = hs_s.shape
    EP = rw_s.shape[1]
    E, _, ED2 = wgu.shape
    ED = ED2 // 2
    W = tid.shape[0]
    grid_spec = pltpu.PrefetchScalarGridSpec(
        num_scalar_prefetch=4,
        grid=(W,),
        in_specs=[
            pl.BlockSpec((TM, H), lambda i, t, g, v, o: (t[i], 0)),
            pl.BlockSpec((TM, EP), lambda i, t, g, v, o: (t[i], 0)),
            pl.BlockSpec((1, H, ED2), lambda i, t, g, v, o: (g[i], 0, 0)),
            pl.BlockSpec((1, 1, ED2), lambda i, t, g, v, o: (g[i], 0, 0)),
            pl.BlockSpec((1, ED, H), lambda i, t, g, v, o: (g[i], 0, 0)),
            pl.BlockSpec((1, 1, H), lambda i, t, g, v, o: (g[i], 0, 0)),
        ],
        out_specs=pl.BlockSpec((TM, H), lambda i, t, g, v, o: (t[i], 0)),
    )
    return pl.pallas_call(
        _gmm_body,
        grid_spec=grid_spec,
        out_shape=jax.ShapeDtypeStruct((T, H), jnp.float32),
    )(tid, gid, valid, off, hs_s, rw_s, wgu, bgu, wd, bd)


def _sc_disperse(T, H, EP, rows_per_w):
    mesh = plsc.VectorSubcoreMesh(core_axis_name="c", subcore_axis_name="s")

    @functools.partial(
        pl.kernel, mesh=mesh,
        out_type=[jax.ShapeDtypeStruct((T, H), jnp.float32),
                  jax.ShapeDtypeStruct((T, EP), jnp.float32)],
        scratch_types=[pltpu.VMEM((rows_per_w,), jnp.int32),
                       pltpu.VMEM((rows_per_w, H), jnp.float32),
                       pltpu.VMEM((rows_per_w, EP), jnp.float32),
                       pltpu.SemaphoreType.DMA,
                       pltpu.SemaphoreType.DMA],
    )
    def k(pos_hbm, hs_hbm, rw_hbm, hs_s_hbm, rw_s_hbm,
          idx_v, rows_v, rwrows_v, s1, s2):
        wid = lax.axis_index("s") * 2 + lax.axis_index("c")
        base = wid * rows_per_w
        pltpu.sync_copy(pos_hbm.at[pl.ds(base, rows_per_w)], idx_v)
        pltpu.sync_copy(hs_hbm.at[pl.ds(base, rows_per_w)], rows_v)
        pltpu.sync_copy(rw_hbm.at[pl.ds(base, rows_per_w)], rwrows_v)
        c1 = pltpu.async_copy(rows_v, hs_s_hbm.at[idx_v], s1)
        c2 = pltpu.async_copy(rwrows_v, rw_s_hbm.at[idx_v], s2)
        c1.wait()
        c2.wait()

    return k


def _sc_collect(T, H, rows_per_w):
    mesh = plsc.VectorSubcoreMesh(core_axis_name="c", subcore_axis_name="s")

    @functools.partial(
        pl.kernel, mesh=mesh,
        out_type=jax.ShapeDtypeStruct((T, H), jnp.float32),
        scratch_types=[pltpu.VMEM((rows_per_w,), jnp.int32),
                       pltpu.VMEM((rows_per_w, H), jnp.float32),
                       pltpu.SemaphoreType.DMA],
    )
    def k(pos_hbm, outs_hbm, out_hbm, idx_v, rows_v, s1):
        wid = lax.axis_index("s") * 2 + lax.axis_index("c")
        base = wid * rows_per_w
        pltpu.sync_copy(pos_hbm.at[pl.ds(base, rows_per_w)], idx_v)
        pltpu.async_copy(outs_hbm.at[idx_v], rows_v, s1).wait()
        pltpu.sync_copy(rows_v, out_hbm.at[pl.ds(base, rows_per_w)])

    return k


def _route_metadata(ri_flat, E, T):
    NT = T // TM
    W = NT + E - 1
    onehot = (ri_flat[:, None] == jnp.arange(E, dtype=jnp.int32)[None, :])
    onehot_bf = onehot.astype(jnp.bfloat16)
    ts = jnp.arange(T, dtype=jnp.int32)
    tril = (ts[:, None] >= ts[None, :]).astype(jnp.bfloat16)
    rank = jnp.dot(tril, onehot_bf,
                   preferred_element_type=jnp.float32).astype(jnp.int32)
    counts = rank[T - 1]
    csum = jnp.cumsum(counts).astype(jnp.int32)
    off = jnp.concatenate([jnp.zeros((1,), jnp.int32), csum])
    pos = jnp.sum(jnp.where(onehot, off[None, :-1] + rank - 1, 0),
                  axis=1).astype(jnp.int32)

    first_tile = off[:-1] // TM
    last_tile = (off[1:] - 1) // TM
    gt = jnp.where(counts > 0, last_tile - first_tile + 1, 0).astype(jnp.int32)
    cum = jnp.cumsum(gt)
    total = cum[-1]
    i = jnp.arange(W, dtype=jnp.int32)
    gid = jnp.searchsorted(cum, i, side='right').astype(jnp.int32)
    valid = (i < total).astype(jnp.int32)
    gid_c = jnp.clip(gid, 0, E - 1)
    start = cum[gid_c] - gt[gid_c]
    tid = first_tile[gid_c] + (i - start)
    gid_f = jnp.where(valid > 0, gid_c, E - 1)
    tid_f = jnp.where(valid > 0, tid, NT - 1).astype(jnp.int32)
    return tid_f, gid_f, valid, off, pos


def kernel(hidden_states, router_indices, routing_weights, gate_up_proj,
           gate_up_proj_bias, down_proj, down_proj_bias):
    B, S, H = hidden_states.shape
    E, _, ED2 = gate_up_proj.shape
    ED = ED2 // 2
    T = B * S
    hs = hidden_states.reshape(T, H)
    ri = router_indices.reshape(T).astype(jnp.int32)
    rw = routing_weights.reshape(T, E)

    tid, gid, valid, off, pos = _route_metadata(ri, E, T)

    rows_per_w = T // 32
    rw_p = jnp.pad(rw, ((0, 0), (0, 128 - E)))


    bgu = gate_up_proj_bias.reshape(E, 1, ED2)
    bd = down_proj_bias.reshape(E, 1, H)

    hs_s, rw_s = _sc_disperse(T, H, 128, rows_per_w)(pos, hs, rw_p)
    out_s = _gmm_call(tid, gid, valid, off, hs_s, rw_s, gate_up_proj,
                      bgu, down_proj, bd)
    out = _sc_collect(T, H, rows_per_w)(pos, out_s)
    return out.reshape(B, S, H)

# --- scband reference (transcript-rebuilt; emitter-appended) ---
"""Pipeline reference for scband-gpt-oss-experts-27857157882043 (READ-ONLY COPY).

The authoritative reference and input builder live on the scoring server;
editing this copy changes nothing except your own understanding.
"""

import jax, jax.numpy as jnp
import numpy as np

ALPHA = 1.702
LIMIT = 7.0

def setup_inputs(seed: int = 0) -> dict:
    key = jax.random.key(seed)
    k1, k2, k3, k4, k5, k6, k7 = jax.random.split(key, 7)
    B, S, H, ED, E, K = 1, 2048, 768, 64, 64, 1
    hidden_states = jax.random.normal(k1, (B, S, H), dtype=jnp.float32)
    router_indices = jax.random.randint(k2, (B, S, K), 0, E, dtype=jnp.int32)
    routing_weights = jax.random.uniform(k3, (B, S, E), dtype=jnp.float32)
    gate_up_proj = 0.02 * jax.random.normal(k4, (E, H, 2 * ED), dtype=jnp.float32)
    gate_up_proj_bias = 0.02 * jax.random.normal(k5, (E, 2 * ED), dtype=jnp.float32)
    down_proj = 0.02 * jax.random.normal(k6, (E, ED, H), dtype=jnp.float32)
    down_proj_bias = 0.02 * jax.random.normal(k7, (E, H), dtype=jnp.float32)
    return {
        "hidden_states": hidden_states,
        "router_indices": router_indices,
        "routing_weights": routing_weights,
        "gate_up_proj": gate_up_proj,
        "gate_up_proj_bias": gate_up_proj_bias,
        "down_proj": down_proj,
        "down_proj_bias": down_proj_bias,
    }

def reference(hidden_states, router_indices, routing_weights, gate_up_proj, gate_up_proj_bias, down_proj, down_proj_bias):
    batch_size, seq_len, hidden_size = hidden_states.shape
    tokens = batch_size * seq_len
    hs = hidden_states.reshape(tokens, hidden_size)
    rw = routing_weights.reshape(tokens, -1)
    ri = router_indices.reshape(tokens, -1)
    # gather per-token expert weights (memory-bound)
    gup = jnp.take(gate_up_proj, ri, axis=0)  # [t, k, H, 2*ED]
    gate_up = jnp.einsum('td,txdf->txf', hs, gup)
    gate_up = gate_up + jnp.take(gate_up_proj_bias, ri, axis=0)
    gate = jnp.clip(gate_up[..., ::2], None, LIMIT)
    up = jnp.clip(gate_up[..., 1::2], -LIMIT, LIMIT)
    glu = gate * jax.nn.sigmoid(gate * ALPHA)
    fused = (up + 1.0) * glu
    dp = jnp.take(down_proj, ri, axis=0)  # [t, k, ED, H]
    next_states = jnp.einsum('txf,txfd->txd', fused, dp)
    next_states = next_states + jnp.take(down_proj_bias, ri, axis=0)
    topk_weights = jnp.take_along_axis(rw, ri, axis=1)
    next_states = jnp.einsum('txd,tx->td', next_states, topk_weights)
    return next_states.reshape(batch_size, seq_len, hidden_size)

if __name__ == "__main__":
    import jax
    _d = setup_inputs()
    print(jax.jit(kernel)(*tuple(_d.values())))

</pallas_src>

<mosaic_0001>
#map = affine_map<(d0, d1) -> (0)>
#map1 = affine_map<(d0, d1) -> (0, 0)>
module attributes {stable_mosaic.version = 14 : i64} {
  func.func @k(%arg0: i32, %arg1: i32, %arg2: memref<2048xi32, #tpu.memory_space<hbm>>, %arg3: memref<2048x768xf32, #tpu.memory_space<hbm>>, %arg4: memref<2048x128xf32, #tpu.memory_space<hbm>>, %arg5: memref<2048x768xf32, #tpu.memory_space<hbm>>, %arg6: memref<2048x128xf32, #tpu.memory_space<hbm>>, %arg7: memref<64xi32, #tpu.memory_space<vmem>>, %arg8: memref<64x768xf32, #tpu.memory_space<vmem>>, %arg9: memref<64x128xf32, #tpu.memory_space<vmem>>, %arg10: memref<!tpu.dma_semaphore, #tpu.memory_space<semaphore_mem>>, %arg11: memref<!tpu.dma_semaphore, #tpu.memory_space<semaphore_mem>>) attributes {dimension_semantics = [#tpu.dimension_semantics<core_parallel>, #tpu.dimension_semantics<subcore_parallel>], iteration_bounds = array<i64: 2, 16>, scalar_prefetch = 0 : i64, scratch_operands = 5 : i64, tpu.core_type = #tpu.core_type<sc_vector_subcore>, window_params = [{transform_indices = #map}, {transform_indices = #map1}, {transform_indices = #map1}, {transform_indices = #map1}, {transform_indices = #map1}]} {
    %mul3A = arith.constant 2 : i32
    %mul3A_0 = arith.muli %arg1, %mul3A : i32
    %add3A = arith.addi %mul3A_0, %arg0 : i32
    %mul3A_1 = arith.constant 64 : i32
    %mul3A_2 = arith.muli %add3A, %mul3A_1 : i32
    "tpu.region"() ({
      %run_scoped3A = tpu.sem_alloc : memref<!tpu.dma_semaphore, #tpu.memory_space<semaphore_mem>>
      %dma_start3A_13 = tpu.memref_slice %arg2[%mul3A_2] : memref<2048xi32, #tpu.memory_space<hbm>> -> memref<64xi32, #tpu.memory_space<hbm>>
      %dma_start3A_14 = tpu.memref_slice %arg2[%mul3A_2] : memref<2048xi32, #tpu.memory_space<hbm>> -> memref<64xi32, #tpu.memory_space<hbm>>
      tpu.enqueue_dma source(%dma_start3A_14 : memref<64xi32, #tpu.memory_space<hbm>>) target(%arg7 : memref<64xi32, #tpu.memory_space<vmem>>) target_semaphore(%run_scoped3A : memref<!tpu.dma_semaphore, #tpu.memory_space<semaphore_mem>>)
      %dma_wait3A_15 = tpu.memref_slice %arg2[%mul3A_2] : memref<2048xi32, #tpu.memory_space<hbm>> -> memref<64xi32, #tpu.memory_space<hbm>>
      %dma_wait3A_16 = tpu.memref_slice %arg2[%mul3A_2] : memref<2048xi32, #tpu.memory_space<hbm>> -> memref<64xi32, #tpu.memory_space<hbm>>
      tpu.wait_dma2 semaphore(%run_scoped3A : memref<!tpu.dma_semaphore, #tpu.memory_space<semaphore_mem>>) src(%dma_wait3A_16 : memref<64xi32, #tpu.memory_space<hbm>>) dst(%arg7 : memref<64xi32, #tpu.memory_space<vmem>>)
      tpu.yield
    }) : () -> ()
    "tpu.region"() ({
      %run_scoped3A = tpu.sem_alloc : memref<!tpu.dma_semaphore, #tpu.memory_space<semaphore_mem>>
      %dma_start3A_13 = arith.constant 0 : i32
      %dma_start3A_14 = tpu.memref_slice %arg3[%mul3A_2, %dma_start3A_13] : memref<2048x768xf32, #tpu.memory_space<hbm>> -> memref<64x768xf32, #tpu.memory_space<hbm>>
      %dma_start3A_15 = arith.constant 0 : i32
      %dma_start3A_16 = tpu.memref_slice %arg3[%mul3A_2, %dma_start3A_15] : memref<2048x768xf32, #tpu.memory_space<hbm>> -> memref<64x768xf32, #tpu.memory_space<hbm>>
      tpu.enqueue_dma source(%dma_start3A_16 : memref<64x768xf32, #tpu.memory_space<hbm>>) target(%arg8 : memref<64x768xf32, #tpu.memory_space<vmem>>) target_semaphore(%run_scoped3A : memref<!tpu.dma_semaphore, #tpu.memory_space<semaphore_mem>>)
      %dma_wait3A_17 = arith.constant 0 : i32
      %dma_wait3A_18 = tpu.memref_slice %arg3[%mul3A_2, %dma_wait3A_17] : memref<2048x768xf32, #tpu.memory_space<hbm>> -> memref<64x768xf32, #tpu.memory_space<hbm>>
      %dma_wait3A_19 = arith.constant 0 : i32
      %dma_wait3A_20 = tpu.memref_slice %arg3[%mul3A_2, %dma_wait3A_19] : memref<2048x768xf32, #tpu.memory_space<hbm>> -> memref<64x768xf32, #tpu.memory_space<hbm>>
      tpu.wait_dma2 semaphore(%run_scoped3A : memref<!tpu.dma_semaphore, #tpu.memory_space<semaphore_mem>>) src(%dma_wait3A_20 : memref<64x768xf32, #tpu.memory_space<hbm>>) dst(%arg8 : memref<64x768xf32, #tpu.memory_space<vmem>>)
      tpu.yield
    }) : () -> ()
    "tpu.region"() ({
      %run_scoped3A = tpu.sem_alloc : memref<!tpu.dma_semaphore, #tpu.memory_space<semaphore_mem>>
      %dma_start3A_13 = arith.constant 0 : i32
      %dma_start3A_14 = tpu.memref_slice %arg4[%mul3A_2, %dma_start3A_13] : memref<2048x128xf32, #tpu.memory_space<hbm>> -> memref<64x128xf32, #tpu.memory_space<hbm>>
      %dma_start3A_15 = arith.constant 0 : i32
      %dma_start3A_16 = tpu.memref_slice %arg4[%mul3A_2, %dma_start3A_15] : memref<2048x128xf32, #tpu.memory_space<hbm>> -> memref<64x128xf32, #tpu.memory_space<hbm>>
      tpu.enqueue_dma source(%dma_start3A_16 : memref<64x128xf32, #tpu.memory_space<hbm>>) target(%arg9 : memref<64x128xf32, #tpu.memory_space<vmem>>) target_semaphore(%run_scoped3A : memref<!tpu.dma_semaphore, #tpu.memory_space<semaphore_mem>>)
      %dma_wait3A_17 = arith.constant 0 : i32
      %dma_wait3A_18 = tpu.memref_slice %arg4[%mul3A_2, %dma_wait3A_17] : memref<2048x128xf32, #tpu.memory_space<hbm>> -> memref<64x128xf32, #tpu.memory_space<hbm>>
      %dma_wait3A_19 = arith.constant 0 : i32
      %dma_wait3A_20 = tpu.memref_slice %arg4[%mul3A_2, %dma_wait3A_19] : memref<2048x128xf32, #tpu.memory_space<hbm>> -> memref<64x128xf32, #tpu.memory_space<hbm>>
      tpu.wait_dma2 semaphore(%run_scoped3A : memref<!tpu.dma_semaphore, #tpu.memory_space<semaphore_mem>>) src(%dma_wait3A_20 : memref<64x128xf32, #tpu.memory_space<hbm>>) dst(%arg9 : memref<64x128xf32, #tpu.memory_space<vmem>>)
      tpu.yield
    }) : () -> ()
    %dma_start3A = arith.constant 0 : i32
    %dma_start3A_3 = arith.constant 0 : i32
    %dma_start3A_4 = tpu.memref_slice %arg5[%dma_start3A, %dma_start3A_3] : memref<2048x768xf32, #tpu.memory_space<hbm>> -> memref<2048x768xf32, #tpu.memory_space<hbm>>
    tpu.enqueue_indirect_dma source(%arg8 : memref<64x768xf32, #tpu.memory_space<vmem>>) target(%dma_start3A_4 : memref<2048x768xf32, #tpu.memory_space<hbm>>) offsets(%arg7 : memref<64xi32, #tpu.memory_space<vmem>>) semaphore(%arg10 : memref<!tpu.dma_semaphore, #tpu.memory_space<semaphore_mem>>)
    %dma_start3A_5 = arith.constant 0 : i32
    %dma_start3A_6 = arith.constant 0 : i32
    %dma_start3A_7 = tpu.memref_slice %arg6[%dma_start3A_5, %dma_start3A_6] : memref<2048x128xf32, #tpu.memory_space<hbm>> -> memref<2048x128xf32, #tpu.memory_space<hbm>>
    tpu.enqueue_indirect_dma source(%arg9 : memref<64x128xf32, #tpu.memory_space<vmem>>) target(%dma_start3A_7 : memref<2048x128xf32, #tpu.memory_space<hbm>>) offsets(%arg7 : memref<64xi32, #tpu.memory_space<vmem>>) semaphore(%arg11 : memref<!tpu.dma_semaphore, #tpu.memory_space<semaphore_mem>>)
    %dma_wait3A = arith.constant 0 : i32
    %dma_wait3A_8 = arith.constant 0 : i32
    %dma_wait3A_9 = tpu.memref_slice %arg5[%dma_wait3A, %dma_wait3A_8] : memref<2048x768xf32, #tpu.memory_space<hbm>> -> memref<2048x768xf32, #tpu.memory_space<hbm>>
    tpu.wait_indirect_dma semaphore(%arg10 : memref<!tpu.dma_semaphore, #tpu.memory_space<semaphore_mem>>) src(%arg8 : memref<64x768xf32, #tpu.memory_space<vmem>>) dst(%dma_wait3A_9 : memref<2048x768xf32, #tpu.memory_space<hbm>>)
    %dma_wait3A_10 = arith.constant 0 : i32
    %dma_wait3A_11 = arith.constant 0 : i32
    %dma_wait3A_12 = tpu.memref_slice %arg6[%dma_wait3A_10, %dma_wait3A_11] : memref<2048x128xf32, #tpu.memory_space<hbm>> -> memref<2048x128xf32, #tpu.memory_space<hbm>>
    tpu.wait_indirect_dma semaphore(%arg11 : memref<!tpu.dma_semaphore, #tpu.memory_space<semaphore_mem>>) src(%arg9 : memref<64x128xf32, #tpu.memory_space<vmem>>) dst(%dma_wait3A_12 : memref<2048x128xf32, #tpu.memory_space<hbm>>)
    return
  }
}

#map = affine_map<(d0, d1) -> (0)>
#map1 = affine_map<(d0, d1) -> (0, 0)>
module attributes {stable_mosaic.version = 14 : i64} {
  func.func @k(%arg0: i32, %arg1: i32, %arg2: memref<2048xi32, #tpu.memory_space<hbm>>, %arg3: memref<2048x768xf32, #tpu.memory_space<hbm>>, %arg4: memref<2048x768xf32, #tpu.memory_space<hbm>>, %arg5: memref<64xi32, #tpu.memory_space<vmem>>, %arg6: memref<64x768xf32, #tpu.memory_space<vmem>>, %arg7: memref<!tpu.dma_semaphore, #tpu.memory_space<semaphore_mem>>) attributes {dimension_semantics = [#tpu.dimension_semantics<core_parallel>, #tpu.dimension_semantics<subcore_parallel>], iteration_bounds = array<i64: 2, 16>, scalar_prefetch = 0 : i64, scratch_operands = 3 : i64, tpu.core_type = #tpu.core_type<sc_vector_subcore>, window_params = [{transform_indices = #map}, {transform_indices = #map1}, {transform_indices = #map1}]} {
    %mul3A = arith.constant 2 : i32
    %mul3A_0 = arith.muli %arg1, %mul3A : i32
    %add3A = arith.addi %mul3A_0, %arg0 : i32
    %mul3A_1 = arith.constant 64 : i32
    %mul3A_2 = arith.muli %add3A, %mul3A_1 : i32
    "tpu.region"() ({
      %run_scoped3A = tpu.sem_alloc : memref<!tpu.dma_semaphore, #tpu.memory_space<semaphore_mem>>
      %dma_start3A_7 = tpu.memref_slice %arg2[%mul3A_2] : memref<2048xi32, #tpu.memory_space<hbm>> -> memref<64xi32, #tpu.memory_space<hbm>>
      %dma_start3A_8 = tpu.memref_slice %arg2[%mul3A_2] : memref<2048xi32, #tpu.memory_space<hbm>> -> memref<64xi32, #tpu.memory_space<hbm>>
      tpu.enqueue_dma source(%dma_start3A_8 : memref<64xi32, #tpu.memory_space<hbm>>) target(%arg5 : memref<64xi32, #tpu.memory_space<vmem>>) target_semaphore(%run_scoped3A : memref<!tpu.dma_semaphore, #tpu.memory_space<semaphore_mem>>)
      %dma_wait3A_9 = tpu.memref_slice %arg2[%mul3A_2] : memref<2048xi32, #tpu.memory_space<hbm>> -> memref<64xi32, #tpu.memory_space<hbm>>
      %dma_wait3A_10 = tpu.memref_slice %arg2[%mul3A_2] : memref<2048xi32, #tpu.memory_space<hbm>> -> memref<64xi32, #tpu.memory_space<hbm>>
      tpu.wait_dma2 semaphore(%run_scoped3A : memref<!tpu.dma_semaphore, #tpu.memory_space<semaphore_mem>>) src(%dma_wait3A_10 : memref<64xi32, #tpu.memory_space<hbm>>) dst(%arg5 : memref<64xi32, #tpu.memory_space<vmem>>)
      tpu.yield
    }) : () -> ()
    %dma_start3A = arith.constant 0 : i32
    %dma_start3A_3 = arith.constant 0 : i32
    %dma_start3A_4 = tpu.memref_slice %arg3[%dma_start3A, %dma_start3A_3] : memref<2048x768xf32, #tpu.memory_space<hbm>> -> memref<2048x768xf32, #tpu.memory_space<hbm>>
    tpu.enqueue_indirect_dma source(%dma_start3A_4 : memref<2048x768xf32, #tpu.memory_space<hbm>>) target(%arg6 : memref<64x768xf32, #tpu.memory_space<vmem>>) offsets(%arg5 : memref<64xi32, #tpu.memory_space<vmem>>) semaphore(%arg7 : memref<!tpu.dma_semaphore, #tpu.memory_space<semaphore_mem>>)
    %dma_wait3A = arith.constant 0 : i32
    %dma_wait3A_5 = arith.constant 0 : i32
    %dma_wait3A_6 = tpu.memref_slice %arg3[%dma_wait3A, %dma_wait3A_5] : memref<2048x768xf32, #tpu.memory_space<hbm>> -> memref<2048x768xf32, #tpu.memory_space<hbm>>
    tpu.wait_indirect_dma semaphore(%arg7 : memref<!tpu.dma_semaphore, #tpu.memory_space<semaphore_mem>>) src(%dma_wait3A_6 : memref<2048x768xf32, #tpu.memory_space<hbm>>) dst(%arg6 : memref<64x768xf32, #tpu.memory_space<vmem>>)
    "tpu.region"() ({
      %run_scoped3A = tpu.sem_alloc : memref<!tpu.dma_semaphore, #tpu.memory_space<semaphore_mem>>
      %dma_start3A_7 = arith.constant 0 : i32
      %dma_start3A_8 = tpu.memref_slice %arg4[%mul3A_2, %dma_start3A_7] : memref<2048x768xf32, #tpu.memory_space<hbm>> -> memref<64x768xf32, #tpu.memory_space<hbm>>
      %dma_start3A_9 = arith.constant 0 : i32
      %dma_start3A_10 = tpu.memref_slice %arg4[%mul3A_2, %dma_start3A_9] : memref<2048x768xf32, #tpu.memory_space<hbm>> -> memref<64x768xf32, #tpu.memory_space<hbm>>
      tpu.enqueue_dma source(%arg6 : memref<64x768xf32, #tpu.memory_space<vmem>>) target(%dma_start3A_10 : memref<64x768xf32, #tpu.memory_space<hbm>>) target_semaphore(%run_scoped3A : memref<!tpu.dma_semaphore, #tpu.memory_space<semaphore_mem>>)
      %dma_wait3A_11 = arith.constant 0 : i32
      %dma_wait3A_12 = tpu.memref_slice %arg4[%mul3A_2, %dma_wait3A_11] : memref<2048x768xf32, #tpu.memory_space<hbm>> -> memref<64x768xf32, #tpu.memory_space<hbm>>
      %dma_wait3A_13 = arith.constant 0 : i32
      %dma_wait3A_14 = tpu.memref_slice %arg4[%mul3A_2, %dma_wait3A_13] : memref<2048x768xf32, #tpu.memory_space<hbm>> -> memref<64x768xf32, #tpu.memory_space<hbm>>
      tpu.wait_dma2 semaphore(%run_scoped3A : memref<!tpu.dma_semaphore, #tpu.memory_space<semaphore_mem>>) src(%arg6 : memref<64x768xf32, #tpu.memory_space<vmem>>) dst(%dma_wait3A_14 : memref<64x768xf32, #tpu.memory_space<hbm>>)
      tpu.yield
    }) : () -> ()
    return
  }
}

module attributes {stable_mosaic.version = 14 : i64} {
  func.func @_gmm_body(%arg0: i32, %arg1: memref<79xi32, #tpu.memory_space<smem>>, %arg2: memref<79xi32, #tpu.memory_space<smem>>, %arg3: memref<79xi32, #tpu.memory_space<smem>>, %arg4: memref<65xi32, #tpu.memory_space<smem>>, %arg5: memref<128x768xf32, #tpu.memory_space<vmem>>, %arg6: memref<128x128xf32, #tpu.memory_space<vmem>>, %arg7: memref<1x768x128xf32, #tpu.memory_space<vmem>>, %arg8: memref<1x1x128xf32, #tpu.memory_space<vmem>>, %arg9: memref<1x64x768xf32, #tpu.memory_space<vmem>>, %arg10: memref<1x1x768xf32, #tpu.memory_space<vmem>>, %arg11: memref<128x768xf32, #tpu.memory_space<vmem>>) attributes {dimension_semantics = [#tpu.dimension_semantics<arbitrary>], iteration_bounds = array<i64: 79>, scalar_prefetch = 4 : i64, scratch_operands = 0 : i64, tpu.core_type = #tpu.core_type<tc>, window_params = [{transform_indices = @transform_0, window_bounds = array<i64: 128, 768>}, {transform_indices = @transform_1, window_bounds = array<i64: 128, 128>}, {transform_indices = @transform_2, window_bounds = array<i64: 1, 768, 128>}, {transform_indices = @transform_3, window_bounds = array<i64: 1, 1, 128>}, {transform_indices = @transform_4, window_bounds = array<i64: 1, 64, 768>}, {transform_indices = @transform_5, window_bounds = array<i64: 1, 1, 768>}, {transform_indices = @transform_6, window_bounds = array<i64: 128, 768>}]} {
    %get3A = arith.index_cast %arg0 : i32 to index
    %get3A_0 = memref.load %arg2[%get3A] : memref<79xi32, #tpu.memory_space<smem>>
    %get3A_1 = arith.index_cast %arg0 : i32 to index
    %get3A_2 = memref.load %arg1[%get3A_1] : memref<79xi32, #tpu.memory_space<smem>>
    %get3A_3 = arith.index_cast %get3A_0 : i32 to index
    %get3A_4 = memref.load %arg4[%get3A_3] : memref<65xi32, #tpu.memory_space<smem>>
    %add3A = arith.constant 1 : i32
    %add3A_5 = arith.addi %get3A_0, %add3A : i32
    %get3A_6 = arith.index_cast %add3A_5 : i32 to index
    %get3A_7 = memref.load %arg4[%get3A_6] : memref<65xi32, #tpu.memory_space<smem>>
    %mul3A = arith.constant 128 : i32
    %mul3A_8 = arith.muli %get3A_2, %mul3A : i32
    %iota3A = tpu.iota {dimensions = array<i32: 0>} : vector<128x1xi32>
    %add3A_9 = vector.broadcast %mul3A_8 : i32 to vector<128x1xi32>
    %add3A_10 = arith.addi %iota3A, %add3A_9 : vector<128x1xi32>
    %ge3A = vector.broadcast %get3A_4 : i32 to vector<128x1xi32>
    %ge3A_11 = arith.cmpi sge, %add3A_10, %ge3A : vector<128x1xi32>
    %lt3A = vector.broadcast %get3A_7 : i32 to vector<128x1xi32>
    %lt3A_12 = arith.cmpi slt, %add3A_10, %lt3A : vector<128x1xi32>
    %and3A = arith.andi %ge3A_11, %lt3A_12 : vector<128x1xi1>
    %get3A_13 = arith.index_cast %arg0 : i32 to index
    %get3A_14 = memref.load %arg3[%get3A_13] : memref<79xi32, #tpu.memory_space<smem>>
    %gt3A = arith.constant 0 : i32
    %gt3A_15 = arith.cmpi sgt, %get3A_14, %gt3A : i32
    %and3A_16 = vector.broadcast %gt3A_15 : i1 to vector<128x1xi1>
    %and3A_17 = arith.andi %and3A, %and3A_16 : vector<128x1xi1>
    %iota3A_18 = tpu.iota {dimensions = array<i32: 0>} : vector<128x1xi32>
    %eq3A = vector.broadcast %get3A_0 : i32 to vector<128x1xi32>
    %eq3A_19 = arith.cmpi eq, %iota3A_18, %eq3A : vector<128x1xi32>
    %convert_element_type3A = arith.extui %eq3A_19 : vector<128x1xi1> to vector<128x1xi32>
    %convert_element_type3A_20 = arith.sitofp %convert_element_type3A : vector<128x1xi32> to vector<128x1xf32>
    %get3A_21 = arith.constant 0 : index
    %get3A_22 = arith.constant 0 : index
    %get3A_23 = vector.load %arg6[%get3A_21, %get3A_22] : memref<128x128xf32, #tpu.memory_space<vmem>>, vector<128x128xf32>
    %dot_general3A = arith.constant dense<0.000000e+00> : vector<128x1xf32>
    %dot_general3A_24 = tpu.matmul %get3A_23, %convert_element_type3A_20, %dot_general3A {dimension_numbers = #tpu.dot_dimension_numbers<[1], [0], [0], [1], [0, 0, 1, 1], [], []>, transpose_lhs_hint = false} : vector<128x128xf32>, vector<128x1xf32>, vector<128x1xf32> -> vector<128x1xf32>
    %jit3A = arith.constant 0.000000e+00 : f32
    %broadcast_in_dim3A = vector.broadcast %jit3A : f32 to vector<128x1xf32>
    %select_n3A = arith.select %and3A_17, %dot_general3A_24, %broadcast_in_dim3A : vector<128x1xi1>, vector<128x1xf32>
    %get3A_25 = arith.constant 0 : index
    %get3A_26 = arith.constant 0 : index
    %get3A_27 = vector.load %arg5[%get3A_25, %get3A_26] : memref<128x768xf32, #tpu.memory_space<vmem>>, vector<128x768xf32>
    %get3A_28 = arith.constant 0 : index
    %get3A_29 = arith.constant 0 : index
    %get3A_30 = arith.constant 0 : index
    %get3A_31 = vector.load %arg7[%get3A_28, %get3A_29, %get3A_30] : memref<1x768x128xf32, #tpu.memory_space<vmem>>, vector<1x768x128xf32>
    %get3A_32 = vector.shape_cast %get3A_31 : vector<1x768x128xf32> to vector<768x128xf32>
    %dot_general3A_33 = arith.constant dense<0.000000e+00> : vector<128x128xf32>
    %dot_general3A_34 = tpu.matmul %get3A_27, %get3A_32, %dot_general3A_33 {dimension_numbers = #tpu.dot_dimension_numbers<[1], [0], [0], [1], [0, 0, 1, 1], [], []>, transpose_lhs_hint = false} : vector<128x768xf32>, vector<768x128xf32>, vector<128x128xf32> -> vector<128x128xf32>
    %get3A_35 = arith.constant 0 : index
    %get3A_36 = arith.constant 0 : index
    %get3A_37 = arith.constant 0 : index
    %get3A_38 = vector.load %arg8[%get3A_35, %get3A_36, %get3A_37] : memref<1x1x128xf32, #tpu.memory_space<vmem>>, vector<1x1x128xf32>
    %get3A_39 = vector.shape_cast %get3A_38 : vector<1x1x128xf32> to vector<1x128xf32>
    %add3A_40 = vector.broadcast %get3A_39 : vector<1x128xf32> to vector<128x128xf32>
    %add3A_41 = arith.addf %dot_general3A_34, %add3A_40 : vector<128x128xf32>
    %iota3A_42 = tpu.iota {dimensions = array<i32: 0>} : vector<128x64xi32>
    %iota3A_43 = tpu.iota {dimensions = array<i32: 1>} : vector<128x64xi32>
    %mul3A_44 = arith.constant 2 : i32
    %mul3A_45 = vector.broadcast %mul3A_44 : i32 to vector<128x64xi32>
    %mul3A_46 = arith.muli %mul3A_45, %iota3A_43 : vector<128x64xi32>
    %eq3A_47 = arith.cmpi eq, %iota3A_42, %mul3A_46 : vector<128x64xi32>
    %convert_element_type3A_48 = arith.extui %eq3A_47 : vector<128x64xi1> to vector<128x64xi32>
    %convert_element_type3A_49 = arith.sitofp %convert_element_type3A_48 : vector<128x64xi32> to vector<128x64xf32>
    %mul3A_50 = arith.constant 2 : i32
    %mul3A_51 = vector.broadcast %mul3A_50 : i32 to vector<128x64xi32>
    %mul3A_52 = arith.muli %mul3A_51, %iota3A_43 : vector<128x64xi32>
    %add3A_53 = arith.constant 1 : i32
    %add3A_54 = vector.broadcast %add3A_53 : i32 to vector<128x64xi32>
    %add3A_55 = arith.addi %mul3A_52, %add3A_54 : vector<128x64xi32>
    %eq3A_56 = arith.cmpi eq, %iota3A_42, %add3A_55 : vector<128x64xi32>
    %convert_element_type3A_57 = arith.extui %eq3A_56 : vector<128x64xi1> to vector<128x64xi32>
    %convert_element_type3A_58 = arith.sitofp %convert_element_type3A_57 : vector<128x64xi32> to vector<128x64xf32>
    %dot_general3A_59 = arith.constant dense<0.000000e+00> : vector<128x64xf32>
    %dot_general3A_60 = tpu.matmul %add3A_41, %convert_element_type3A_49, %dot_general3A_59 {dimension_numbers = #tpu.dot_dimension_numbers<[1], [0], [0], [1], [0, 0, 1, 1], [], []>, transpose_lhs_hint = false} : vector<128x128xf32>, vector<128x64xf32>, vector<128x64xf32> -> vector<128x64xf32>
    %min3A = arith.constant 7.000000e+00 : f32
    %min3A_61 = vector.broadcast %min3A : f32 to vector<128x64xf32>
    %min3A_62 = arith.minimumf %dot_general3A_60, %min3A_61 : vector<128x64xf32>
    %dot_general3A_63 = arith.constant dense<0.000000e+00> : vector<128x64xf32>
    %dot_general3A_64 = tpu.matmul %add3A_41, %convert_element_type3A_58, %dot_general3A_63 {dimension_numbers = #tpu.dot_dimension_numbers<[1], [0], [0], [1], [0, 0, 1, 1], [], []>, transpose_lhs_hint = false} : vector<128x128xf32>, vector<128x64xf32>, vector<128x64xf32> -> vector<128x64xf32>
    %jit3A_65 = arith.constant -7.000000e+00 : f32
    %jit3A_66 = arith.constant 7.000000e+00 : f32
    %max3A = vector.broadcast %jit3A_65 : f32 to vector<128x64xf32>
    %max3A_67 = arith.maximumf %max3A, %dot_general3A_64 : vector<128x64xf32>
    %min3A_68 = vector.broadcast %jit3A_66 : f32 to vector<128x64xf32>
    %min3A_69 = arith.minimumf %min3A_68, %max3A_67 : vector<128x64xf32>
    %mul3A_70 = arith.constant 1.702000e+00 : f32
    %mul3A_71 = vector.broadcast %mul3A_70 : f32 to vector<128x64xf32>
    %mul3A_72 = arith.mulf %min3A_62, %mul3A_71 : vector<128x64xf32>
    %logistic3A = arith.negf %mul3A_72 : vector<128x64xf32>
    %logistic3A_73 = math.exp %logistic3A : vector<128x64xf32>
    %logistic3A_74 = arith.constant 1.000000e+00 : f32
    %logistic3A_75 = vector.broadcast %logistic3A_74 : f32 to vector<128x64xf32>
    %logistic3A_76 = arith.addf %logistic3A_75, %logistic3A_73 : vector<128x64xf32>
    %logistic3A_77 = arith.divf %logistic3A_75, %logistic3A_76 : vector<128x64xf32>
    %mul3A_78 = arith.mulf %min3A_62, %logistic3A_77 : vector<128x64xf32>
    %add3A_79 = arith.constant 1.000000e+00 : f32
    %add3A_80 = vector.broadcast %add3A_79 : f32 to vector<128x64xf32>
    %add3A_81 = arith.addf %min3A_69, %add3A_80 : vector<128x64xf32>
    %mul3A_82 = arith.mulf %add3A_81, %mul3A_78 : vector<128x64xf32>
    %mul3A_83 = vector.broadcast %select_n3A : vector<128x1xf32> to vector<128x64xf32>
    %mul3A_84 = arith.mulf %mul3A_83, %mul3A_82 : vector<128x64xf32>
    %get3A_85 = arith.constant 0 : index
    %get3A_86 = arith.constant 0 : index
    %get3A_87 = arith.constant 0 : index
    %get3A_88 = vector.load %arg9[%get3A_85, %get3A_86, %get3A_87] : memref<1x64x768xf32, #tpu.memory_space<vmem>>, vector<1x64x768xf32>
    %get3A_89 = vector.shape_cast %get3A_88 : vector<1x64x768xf32> to vector<64x768xf32>
    %dot_general3A_90 = arith.constant dense<0.000000e+00> : vector<128x768xf32>
    %dot_general3A_91 = tpu.matmul %mul3A_84, %get3A_89, %dot_general3A_90 {dimension_numbers = #tpu.dot_dimension_numbers<[1], [0], [0], [1], [0, 0, 1, 1], [], []>, transpose_lhs_hint = false} : vector<128x64xf32>, vector<64x768xf32>, vector<128x768xf32> -> vector<128x768xf32>
    %get3A_92 = arith.constant 0 : index
    %get3A_93 = arith.constant 0 : index
    %get3A_94 = arith.constant 0 : index
    %get3A_95 = vector.load %arg10[%get3A_92, %get3A_93, %get3A_94] : memref<1x1x768xf32, #tpu.memory_space<vmem>>, vector<1x1x768xf32>
    %get3A_96 = vector.shape_cast %get3A_95 : vector<1x1x768xf32> to vector<1x768xf32>
    %mul3A_97 = vector.broadcast %select_n3A : vector<128x1xf32> to vector<128x768xf32>
    %mul3A_98 = vector.broadcast %get3A_96 : vector<1x768xf32> to vector<128x768xf32>
    %mul3A_99 = arith.mulf %mul3A_97, %mul3A_98 : vector<128x768xf32>
    %add3A_100 = arith.addf %dot_general3A_91, %mul3A_99 : vector<128x768xf32>
    %sub3A = arith.constant 1 : i32
    %sub3A_101 = arith.subi %arg0, %sub3A : i32
    %max3A_102 = arith.constant 0 : i32
    %max3A_103 = arith.maxsi %sub3A_101, %max3A_102 : i32
    %get3A_104 = arith.index_cast %max3A_103 : i32 to index
    %get3A_105 = memref.load %arg1[%get3A_104] : memref<79xi32, #tpu.memory_space<smem>>
    %eq3A_106 = arith.constant 0 : i32
    %eq3A_107 = arith.cmpi eq, %arg0, %eq3A_106 : i32
    %ne3A = arith.cmpi ne, %get3A_2, %get3A_105 : i32
    %or3A = arith.ori %eq3A_107, %ne3A : i1
    %convert_element_type3A_108 = arith.extui %or3A : i1 to i32
    %cond3A = arith.constant 0 : i32
    %cond3A_109 = arith.cmpi ne, %convert_element_type3A_108, %cond3A : i32
    scf.if %cond3A_109 {
      %swap3A = arith.constant 0 : index
      %swap3A_114 = arith.constant 0 : index
      %swap3A_115 = vector.load %arg11[%swap3A, %swap3A_114] : memref<128x768xf32, #tpu.memory_space<vmem>>, vector<128x768xf32>
      tpu.vector_store %arg11[%swap3A, %swap3A_114], %add3A_100 {strides = array<i32>} : memref<128x768xf32, #tpu.memory_space<vmem>>, vector<128x768xf32>,
    } else {
    }
    %not3A = arith.constant true
    %not3A_110 = arith.xori %or3A, %not3A : i1
    %convert_element_type3A_111 = arith.extui %not3A_110 : i1 to i32
    %cond3A_112 = arith.constant 0 : i32
    %cond3A_113 = arith.cmpi ne, %convert_element_type3A_111, %cond3A_112 : i32
    scf.if %cond3A_113 {
      %get3A_114 = arith.constant 0 : index
      %get3A_115 = arith.constant 0 : index
      %get3A_116 = vector.load %arg11[%get3A_114, %get3A_115] : memref<128x768xf32, #tpu.memory_space<vmem>>, vector<128x768xf32>
      %add3A_117 = arith.addf %get3A_116, %add3A_100 : vector<128x768xf32>
      %swap3A = arith.constant 0 : index
      %swap3A_118 = arith.constant 0 : index
      %swap3A_119 = vector.load %arg11[%swap3A, %swap3A_118] : memref<128x768xf32, #tpu.memory_space<vmem>>, vector<128x768xf32>
      tpu.vector_store %arg11[%swap3A, %swap3A_118], %add3A_117 {strides = array<i32>} : memref<128x768xf32, #tpu.memory_space<vmem>>, vector<128x768xf32>,
    } else {
    }
    return
  }
  func.func @transform_0(%arg0: i32, %arg1: memref<79xi32, #tpu.memory_space<smem>>, %arg2: memref<79xi32, #tpu.memory_space<smem>>, %arg3: memref<79xi32, #tpu.memory_space<smem>>, %arg4: memref<65xi32, #tpu.memory_space<smem>>) -> (i32, i32) {
    %get3A = arith.index_cast %arg0 : i32 to index
    %get3A_0 = memref.load %arg1[%get3A] : memref<79xi32, #tpu.memory_space<smem>>
    %c0_i32 = arith.constant 0 : i32
    %c0_i32_1 = arith.constant 0 : i32
    return %get3A_0, %c0_i32 : i32, i32
  }
  func.func @transform_1(%arg0: i32, %arg1: memref<79xi32, #tpu.memory_space<smem>>, %arg2: memref<79xi32, #tpu.memory_space<smem>>, %arg3: memref<79xi32, #tpu.memory_space<smem>>, %arg4: memref<65xi32, #tpu.memory_space<smem>>) -> (i32, i32) {
    %get3A = arith.index_cast %arg0 : i32 to index
    %get3A_0 = memref.load %arg1[%get3A] : memref<79xi32, #tpu.memory_space<smem>>
    %c0_i32 = arith.constant 0 : i32
    %c0_i32_1 = arith.constant 0 : i32
    return %get3A_0, %c0_i32 : i32, i32
  }
  func.func @transform_2(%arg0: i32, %arg1: memref<79xi32, #tpu.memory_space<smem>>, %arg2: memref<79xi32, #tpu.memory_space<smem>>, %arg3: memref<79xi32, #tpu.memory_space<smem>>, %arg4: memref<65xi32, #tpu.memory_space<smem>>) -> (i32, i32, i32) {
    %get3A = arith.index_cast %arg0 : i32 to index
    %get3A_0 = memref.load %arg2[%get3A] : memref<79xi32, #tpu.memory_space<smem>>
    %c0_i32 = arith.constant 0 : i32
    %c0_i32_1 = arith.constant 0 : i32
    %c0_i32_2 = arith.constant 0 : i32
    return %get3A_0, %c0_i32, %c0_i32_1 : i32, i32, i32
  }
  func.func @transform_3(%arg0: i32, %arg1: memref<79xi32, #tpu.memory_space<smem>>, %arg2: memref<79xi32, #tpu.memory_space<smem>>, %arg3: memref<79xi32, #tpu.memory_space<smem>>, %arg4: memref<65xi32, #tpu.memory_space<smem>>) -> (i32, i32, i32) {
    %get3A = arith.index_cast %arg0 : i32 to index
    %get3A_0 = memref.load %arg2[%get3A] : memref<79xi32, #tpu.memory_space<smem>>
    %c0_i32 = arith.constant 0 : i32
    %c0_i32_1 = arith.constant 0 : i32
    %c0_i32_2 = arith.constant 0 : i32
    return %get3A_0, %c0_i32, %c0_i32_1 : i32, i32, i32
  }
  func.func @transform_4(%arg0: i32, %arg1: memref<79xi32, #tpu.memory_space<smem>>, %arg2: memref<79xi32, #tpu.memory_space<smem>>, %arg3: memref<79xi32, #tpu.memory_space<smem>>, %arg4: memref<65xi32, #tpu.memory_space<smem>>) -> (i32, i32, i32) {
    %get3A = arith.index_cast %arg0 : i32 to index
    %get3A_0 = memref.load %arg2[%get3A] : memref<79xi32, #tpu.memory_space<smem>>
    %c0_i32 = arith.constant 0 : i32
    %c0_i32_1 = arith.constant 0 : i32
    %c0_i32_2 = arith.constant 0 : i32
    return %get3A_0, %c0_i32, %c0_i32_1 : i32, i32, i32
  }
  func.func @transform_5(%arg0: i32, %arg1: memref<79xi32, #tpu.memory_space<smem>>, %arg2: memref<79xi32, #tpu.memory_space<smem>>, %arg3: memref<79xi32, #tpu.memory_space<smem>>, %arg4: memref<65xi32, #tpu.memory_space<smem>>) -> (i32, i32, i32) {
    %get3A = arith.index_cast %arg0 : i32 to index
    %get3A_0 = memref.load %arg2[%get3A] : memref<79xi32, #tpu.memory_space<smem>>
    %c0_i32 = arith.constant 0 : i32
    %c0_i32_1 = arith.constant 0 : i32
    %c0_i32_2 = arith.constant 0 : i32
    return %get3A_0, %c0_i32, %c0_i32_1 : i32, i32, i32
  }
  func.func @transform_6(%arg0: i32, %arg1: memref<79xi32, #tpu.memory_space<smem>>, %arg2: memref<79xi32, #tpu.memory_space<smem>>, %arg3: memref<79xi32, #tpu.memory_space<smem>>, %arg4: memref<65xi32, #tpu.memory_space<smem>>) -> (i32, i32) {
    %get3A = arith.index_cast %arg0 : i32 to index
    %get3A_0 = memref.load %arg1[%get3A] : memref<79xi32, #tpu.memory_space<smem>>
    %c0_i32 = arith.constant 0 : i32
    %c0_i32_1 = arith.constant 0 : i32
    return %get3A_0, %c0_i32 : i32, i32
  }
}

</mosaic_0001>

<sc_bundles>
// kernel: kernel.5.cloned.1.call-start
scs
__scs_entry_jumppad:
0x0: {  	(pc) =	sbr.rel $0x88, $3  }
0x1: {  	(tag) =	ssettag $0x0;
	lr =	simm.s32 $0x1  }
0x2: {  	[smem:$0x3F9A] =	sst lr;
	_ =	strace $0xD0000000  }
0x3: {  	_ = 	snop  }
0x4: {  	_ = 	snop  }
0x5: {  	_ = 	snop  }
0x6: {  	_ = 	snop  }
0x7: {  	_ = 	snop  }
__scs_overlays_trampoline_lowered:
0x8: {  	[smem:$0x3FA9] =	sst s0  }
0x9: {  	[smem:$0x3FAA] =	sst s1  }
0xa: {  	[smem:$0x3FAB] =	sst s2  }
0xb: {  	[smem:$0x3FAC] =	sst s3  }
0xc: {  	[smem:$0x3FAD] =	sst s4  }
0xd: {  	[smem:$0x3FAE] =	sst s5  }
0xe: {  	[smem:$0x3FAF] =	sst s6  }
0xf: {  	[smem:$0x3FB0] =	sst s7  }
0x10: {  	[smem:$0x3FB1] =	sst s8  }
0x11: {  	[smem:$0x3FB2] =	sst s9;
	s0 =	simm.s32 @!p0 $0x0  }
0x12: {  	s1 =	sld [smem:$0x3F98];
	s0 =	simm.s32 @p0 $0x1  }
0x13: {  	[smem:$0x3FB3] =	sst s0;
	s0 =	simm.s32 @!p1 $0x0  }
0x14: {  	s2 =	sld [smem:$0x3F97];
	s0 =	simm.s32 @p1 $0x1  }
0x15: {  	[smem:$0x3FB4] =	sst s0;
	s0 =	simm.s32 @!p2 $0x0  }
0x16: {  	s3 =	sld [smem:$0x3FDB];
	s0 =	simm.s32 @p2 $0x1  }
0x17: {  	s4 =	simm.s32 $0x1BF5;
	[smem:$0x3FB6] =	sst s0  }
0x18: {  	s0 =	sld [smem:$0x3F99];
	_ =	swait.ge [sflag:s4], $0x0  }
0x19: {  	s7 =	sld [smem:$0x3F9A]  }
0x1a: {  	s8 =	sadd.s32 $0xFFFFE003, lr  }
0x1b: {  	s9 =	sadd.s32 $0xFFFFFEF7, lr;
	s5 =	simm.s32 $0xFFFFFFFF;
	p2 =	slt.u32 s8, $0xFFFFF086  }
0x1c: {  	p1 =	slt.u32 s9, $0xF7A;
	s5 =	simm.s32 @!p2 $0x0  }
0x1d: {  	s5 =	simm.s32 @p1 $0x1;
	p0 =	seq.s32 s7, s2  }
0x1e: {  	s7 =	smul.u32 @!p0 $0xF7A, s2;
	p2 =	seq.s32 @!p0 s5, $0x0  }
0x1f: {  	s9 =	smul.u32 $0xF7A, s1;
	s8 =	simm.s32 @!p0 $0x1BF5;
	p2 =	por !p2, p0  }
0x20: {  	[sflag:s8] =	ssyncset.s32 @!p0 $0xFFFFF086;
	s6 =	sadd.s32 @!p0 s3, s7;
	s7 =	simm.s32 @!p0 $0x108  }
0x21: {  	s3 =	sadd.s32 s3, s9;
	s6 =	sadd.s32 @!p0 $0x88, s6;
	s7 =	simm.s32 @p2 $0x1082  }
0x22: {  	[simem:s7], [sflag:s8] =	dma.local @!p0 [hbm:s6], $0xF7A  }
0x23: {  	s9 =	sor.u32 $0xD0000000, s2;
	s6 =	simm.s32 $0x108;
	_ =	swait.ge @!p0 [sflag:s8], $0x0  }
0x24: {  	s3 =	sadd.s32 $0x88, s3;
	s6 =	simm.s32 @!p1 $0x1082;
	[sflag:s4] =	ssyncset.s32 $0xFFFFF086  }
0x25: {  	[simem:s6], [sflag:s4] =	dma.local [hbm:s3], $0xF7A  }
0x26: {  	[smem:$0x3F9A] =	sst s1;
	(tag) =	ssettag s2;
	_ =	strace s9  }
0x27: {  	s1 =	sld [smem:$0x3FAA]  }
0x28: {  	s2 =	sld [smem:$0x3FAB]  }
0x29: {  	s4 =	sld [smem:$0x3FAD]  }
0x2a: {  	p0 =	seq.s32 s5, $0x0;
	s5 =	sld [smem:$0x3FAE]  }
0x2b: {  	s6 =	sld [smem:$0x3FAF]  }
0x2c: {  	s7 =	sld [smem:$0x3FB0]  }
0x2d: {  	s3 =	simm.s32 $0x108;
	s8 =	sld [smem:$0x3FB1]  }
0x2e: {  	s3 =	simm.s32 @!p0 $0x1082;
	s9 =	sld [smem:$0x3FB2]  }
0x2f: {  	lr =	sadd.s32 s0, s3;
	s0 =	sld [smem:$0x3FA9]  }
0x30: {  	s3 =	sld [smem:$0x3FAC]  }
0x31: {  	[smem:$0x3FB5] =	sst s10  }
0x32: {  	s10 =	sld [smem:$0x3FB3];
	_ =	sdelay $0x3  }
0x33: {  	p0 =	seq.s32 s10, $0x1;
	s10 =	sld [smem:$0x3FB5];
	_ =	sdelay $0x3  }
0x34: {  	[smem:$0x3FB5] =	sst s10  }
0x35: {  	s10 =	sld [smem:$0x3FB4];
	_ =	sdelay $0x3  }
0x36: {  	p1 =	seq.s32 s10, $0x1;
	s10 =	sld [smem:$0x3FB5];
	_ =	sdelay $0x3  }
0x37: {  	[smem:$0x3FB5] =	sst s10  }
0x38: {  	s10 =	sld [smem:$0x3FB6]  }
0x39: {  	_ = 	snop;
	(pc) =	sbr.ind lr, $3  }
0x3a: {  	_ = 	snop  }
0x3b: {  	_ = 	snop  }
0x3c: {  	p2 =	seq.s32 s10, $0x1;
	s10 =	sld [smem:$0x3FB5]  }
0x3d: {  	_ =	shalt  }
0x3e: {  	_ =	shalt  }
0x3f: {  	_ =	shalt  }
0x40: {  	_ =	shalt  }
0x41: {  	_ =	shalt  }
0x42: {  	_ =	shalt  }
0x43: {  	_ =	shalt  }
0x44: {  	_ =	shalt  }
0x45: {  	_ =	shalt  }
0x46: {  	_ =	shalt  }
0x47: {  	_ =	shalt  }
0x48: {  	_ =	shalt  }
0x49: {  	_ =	shalt  }
0x4a: {  	_ =	shalt  }
0x4b: {  	_ =	shalt  }
0x4c: {  	_ =	shalt  }
0x4d: {  	_ =	shalt  }
0x4e: {  	_ =	shalt  }
0x4f: {  	_ =	shalt  }
0x50: {  	_ =	shalt  }
0x51: {  	_ =	shalt  }
0x52: {  	_ =	shalt  }
0x53: {  	_ =	shalt  }
0x54: {  	_ =	shalt  }
0x55: {  	_ =	shalt  }
0x56: {  	_ =	shalt  }
0x57: {  	_ =	shalt  }
0x58: {  	_ =	shalt  }
0x59: {  	_ =	shalt  }
0x5a: {  	_ =	shalt  }
0x5b: {  	_ =	shalt  }
0x5c: {  	_ =	shalt  }
0x5d: {  	_ =	shalt  }
0x5e: {  	_ =	shalt  }
0x5f: {  	_ =	shalt  }
0x60: {  	_ =	shalt  }
0x61: {  	_ =	shalt  }
0x62: {  	_ =	shalt  }
0x63: {  	_ =	shalt  }
0x64: {  	_ =	shalt  }
0x65: {  	_ =	shalt  }
0x66: {  	_ =	shalt  }
0x67: {  	_ =	shalt  }
0x68: {  	_ =	shalt  }
0x69: {  	_ =	shalt  }
0x6a: {  	_ =	shalt  }
0x6b: {  	_ =	shalt  }
0x6c: {  	_ =	shalt  }
0x6d: {  	_ =	shalt  }
0x6e: {  	_ =	shalt  }
0x6f: {  	_ =	shalt  }
0x70: {  	_ =	shalt  }
0x71: {  	_ =	shalt  }
0x72: {  	_ =	shalt  }
0x73: {  	_ =	shalt  }
0x74: {  	_ =	shalt  }
0x75: {  	_ =	shalt  }
0x76: {  	_ =	shalt  }
0x77: {  	_ =	shalt  }
0x78: {  	_ =	shalt  }
0x79: {  	_ =	shalt  }
0x7a: {  	_ =	shalt  }
0x7b: {  	_ =	shalt  }
0x7c: {  	_ =	shalt  }
0x7d: {  	_ =	shalt  }
0x7e: {  	_ =	shalt  }
0x7f: {  	_ =	shalt  }
0x80: {  	_ =	shalt  }
0x81: {  	_ =	shalt  }
0x82: {  	_ =	shalt  }
0x83: {  	_ =	shalt  }
0x84: {  	_ =	shalt  }
0x85: {  	_ =	shalt  }
0x86: {  	_ =	shalt  }
0x87: {  	_ =	shalt  }
.Lfunc_end0:
.L_simem_size_0:
called_computation_lowered:
.L_overlay_start_0:
0x88: {  	s2 =	sld [smem:$0x3FD9]  }
0x89: {  	s3 =	sld [smem:$0x3FFE];
	_ =	sdelay $0x1  }
0x8a: {  	s1 =	srdreg.scid  }
0x8b: {  	s0 =	sand.u32 $0x1, s1  }
0x8c: {  	s17 =	sshll.u32 s0, $0xA;
	s2 =	sadd.s32 s3, s2  }
0x8d: {  	s2 =	sadd.s32 s2, s17  }
0x8e: {  	[smem:$0x3FC1] =	sst s2  }
0x8f: {  	_ = 	snop  }
0x90: {  	s2 =	sld [smem:$0x3FC9]  }
0x91: {  	s18 =	sld [smem:$0x3FD0];
	(tm) =	ssettm $0x1  }
0x92: {  	s4 =	sld [smem:$0x3FFB];
	_ =	sdelay $0x3  }
0x93: {  	_ =	strace s4  }
0x94: {  	s4 =	sld [smem:$0x3FFC];
	_ =	sdelay $0x3  }
0x95: {  	_ =	strace s4  }
0x96: {  	s4 =	sld [smem:$0x3FFD];
	_ =	sdelay $0x3  }
0x97: {  	_ =	strace s4  }
0x98: {  	_ =	strace $0x8FFFFFFF  }
0x99: {  	s19 =	sld [smem:$0x3FDB];
	_ =	sdelay $0x1  }
0x9a: {  	s5 =	simm.s32 $_scs_section_size  }
0x9b: {  	s6 =	simm.s32 $_size__tile_overlayer_lowered;
	s7 =	simm.s32 $_tile_overlayer_lowered  }
0x9c: {  	s22 =	simm.s32 $0x1BFF;
	s21 =	sshll.u32 s7, $0x1;
	s4 =	sadd.s32 s5, s19  }
0x9d: {  	s8 =	simm.s32 $0x0;
	s20 =	sshll.u32 s6, $0x1;
	s6 =	sadd.s32 s21, s4  }
0x9e: {  	[timem:s8], [sflag:s22] =	dma.local [hbm:s6], s20  }
0x9f: {  	_ =	swait.ge [sflag:s22], s20  }
0xa0: {  	s5 =	ssub.s32 $0x0, s20;
	[sflag:s22] =	ssyncset.done $0x0  }
0xa1: {  	[sflag:s22] =	ssyncadd.s32 s5;
	_ =	sdelay $0x1  }
0xa2: {  	s23 =	simm.s32 $0x1B8B  }
0xa3: {  	_ =	swait.ge [sflag:s23], $0x1  }
0xa4: {  	[sflag:s23] =	ssyncset.done $0x0  }
0xa5: {  	s25 =	simm.s32 $0x1B8E;
	s24 =	sld [smem:$0x3FFE];
	[sflag:s23] =	ssyncadd.s32 $0xFFFFFFFF  }
0xa6: {  	s26 =	simm.s32 $execute0_lowered;
	[smem:$0x3FD2] =	sst s25  }
0xa7: {  	s6 =	sshll.u32 s26, $0x1;
	_ =	strace $0x80000046;
	[dreg:$0x1] =	wrdreg $0xFFFFFFFF  }
0xa8: {  	s28 =	simm.s32 $_size_execute0_lowered;
	s4 =	sadd.s32 s4, s6;
	[dreg:$0x0] =	wrdreg $0x0  }
0xa9: {  	s6 =	sshll.u32 s28, $0x1;
	[dreg:$0x2] =	wrdreg s4  }
0xaa: {  	[dreg:$0x3] =	wrdreg s6  }
0xab: {  	[dreg:$0x4] =	wrdreg $0xC0  }
0xac: {  	_ =	task [dreg:s8], $0x5FFFF  }
0xad: {  	[dreg:$0x1] =	wrdreg $0xFFFFFFFF  }
0xae: {  	[dreg:$0x0] =	wrdreg $0x60  }
0xaf: {  	[dreg:$0x2] =	wrdreg s24  }
0xb0: {  	[dreg:$0x3] =	wrdreg s2  }
0xb1: {  	[dreg:$0x4] =	wrdreg s18  }
0xb2: {  	[dreg:$0x5] =	wrdreg $0x9  }
0xb3: {  	_ =	task.clear_ibuf [dreg:s8], $0x6FFFF;
	_ =	strace $0x90000046  }
0xb4: {  	s29 =	simm.s32 $0x9;
	_ =	strace $0x80000048  }
0xb5: {  	_ =	swait.ge [sflag:s29], $0x1  }
0xb6: {  	[sflag:s29] =	ssyncadd.s32 $0xFFFFFFFF  }
0xb7: {  	_ =	strace $0x90000048  }
0xb8: {  	_ =	sfence  }
0xb9: {  	s30 =	sld [smem:$0x0];
	_ =	sdelay $0x2  }
0xba: {  	s31 =	sshll.u32 s1, $0xD;
	s1 =	sshrl.u32 s1, $0x2  }
0xbb: {  	s3 =	sand.u32 $0x4000, s31;
	s1 =	sadd.s32 s1, s30  }
0xbc: {  	s0 =	sor.u32 s3, s0;
	s1 =	sshll.u32 s1, $0x11  }
0xbd: {  	s0 =	sor.u32 s1, s0  }
0xbe: {  	s0 =	sadd.s32 $0x8F2B, s0  }
0xbf: {  	[sflag:s0] =	ssyncadd.remote.s32 $0x1  }
0xc0: {  	_ =	sfence.sel $0xFFFF  }
0xc1: {  	[dreg:$0x0] =	wrdreg $0xFFFFFFFF;
	(pc) =	sbr.abs _section_cstart, $3  }
0xc2: {  	[dreg:$0x1] =	wrdreg $0xFFFFFFFF  }
0xc3: {  	_ =	task.clear_ibuf [dreg:s8], $0x2FFFF;
	_ =	strace $0x9FFFFFFF  }
0xc4: {  	(tm) =	ssettm $0x7FFFFFFF  }
0xc5: {  	_ =	shalt  }
tec
execute0_lowered:
.L_overlay_start_1:
0x0: {  	(tag) =	ssettag $0x1  }
0x1: {  	s0 =	rddreg [dreg:$0x0]  }
0x2: {  	s4 =	rddreg [dreg:$0x1]  }
0x3: {  	s2 =	rddreg [dreg:$0x2]  }
0x4: {  	s3 =	srdreg.scid;
	s1 =	stileid.u32  }
0x5: {  	s23 =	simm.s32 $0x880;
	s24 =	simm.s32 $0x1080;
	s25 =	simm.s32 $0x1880  }
0x6: {  	s26 =	simm.s32 $0x2080;
	s11 =	simm.s32 $0x3080;
	s12 =	simm.s32 $0x3880  }
0x7: {  	s13 =	simm.s32 $0x4080;
	s14 =	simm.s32 $0x4880;
	s15 =	simm.s32 $0x5080  }
0x8: {  	s16 =	simm.s32 $0x5880;
	s17 =	simm.s32 $0x6080;
	s18 =	simm.s32 $0x6880  }
0x9: {  	s28 =	simm.s32 $0xB080;
	s5 =	sand.u32 $0x1, s3;
	s3 =	simm.s32 $0x0  }
0xa: {  	s29 =	simm.s32 $0xB880;
	s8 =	sadd.s32 $0x8200, s0;
	[smem:$0x7FF] =	sst s3  }
0xb: {  	s30 =	simm.s32 $0x40;
	_ =	strace $0x80000047;
	[dreg:$0x4] =	wrdreg s8  }
0xc: {  	s31 =	simm.s32 $0x1;
	s6 =	sshll.u32 s1, $0x7;
	[dreg:$0x8] =	wrdreg s23  }
0xd: {  	s7 =	sshll.u32 s5, $0x6;
	s5 =	ssub.s32 $0x2, s5;
	[dreg:$0x9] =	wrdreg s24  }
0xe: {  	s6 =	sor.u32 s7, s6;
	s20 =	sshrl.u32 s5, $0x1;
	[dreg:$0xa] =	wrdreg s25  }
0xf: {  	s8 =	simm.s32 $0x80;
	[dreg:$0xb] =	wrdreg s26;
	s23 =	simm.s32 $0x9080  }
0x10: {  	s24 =	simm.s32 $0x9880;
	s25 =	simm.s32 $0xA080;
	s26 =	simm.s32 $0xA880  }
0x11: {  	s7 =	sshrl.u32 s6, $0x3;
	s6 =	sshll.u32 s6, $0x4;
	s22 =	ssub.s32 s5, s20  }
0x12: {  	s5 =	sadd.s32 $0x200, s2;
	s20 =	simm.s32 $0x7880;
	s9 =	smul.u32 $0x300, s7  }
0x13: {  	s6 =	sadd.s32 s6, s0;
	s0 =	sadd.s32 s0, s7;
	s7 =	simm.s32 $0x3  }
0x14: {  	[dreg:$0x5] =	wrdreg s0;
	s21 =	sadd.s32 $0x200, s6;
	s6 =	smax.u32 s22, $0x1  }
0x15: {  	v2 =	vlaneseq.u32;
	s22 =	simm.s32 $0x8880;
	s0 =	simm.s32 $0x2;
	s19 =	sadd.s32 s4, s9  }
0x16: {  	vm0 =	vmmov $0xffff;
	v1 =	vshrl.u32 v2, $0x3;
	[dreg:$0x7] =	wrdreg s21;
	s4 =	sadd.s32 $0x100, s2;
	s9 =	simm.s32 $0xC080  }
0x17: {  	v0 =	vand.u32 $0x7, v2;
	v2 =	vor.u32 $0x8, v2;
	v1 =	vmul.u32 $0x8, v1;
	s21 =	simm.s32 $0x8080;
	[dreg:$0x6] =	wrdreg s19;
	s19 =	simm.s32 $0x7080  }
.LBB2_1:
0x18: {  	s1 =	rddreg [dreg:$0x5]  }
0x19: {  	[tilespmem:s3], [sflag:$0x3] =	stream.linear.gather [hbm4b:s1+s3], $0x40, $0x38;
	[tilespmem:$0xE080] =	vst v63  }
0x1a: {  	_ =	swait.ge [sflag:s7], $0x40  }
0x1b: {  	[sflag:s7] =	ssyncset.done $0x0  }
0x1c: {  	s10 =	rddreg [dreg:$0x6];
	[sflag:s7] =	ssyncadd.s32 $0xFFFFFFC0  }
0x1d: {  	[tilespmem:s8], [sflag:$0x3] =	stream.linear.gather [hbm4b:s10+s3], $0xC000, $0x38;
	[tilespmem:$0xE080] =	vst v63  }
0x1e: {  	_ =	swait.ge [sflag:s7], $0xC000  }
0x1f: {  	[sflag:s7] =	ssyncset.done $0x0  }
0x20: {  	s10 =	rddreg [dreg:$0x7];
	[sflag:s7] =	ssyncadd.s32 $0xFFFF4000  }
0x21: {  	[tilespmem:s9], [sflag:$0x3] =	stream.linear.gather [hbm4b:s10+s3], $0x2000, $0x38;
	[tilespmem:$0xE080] =	vst v63  }
0x22: {  	_ =	swait.ge [sflag:s7], $0x2000  }
0x23: {  	[sflag:s7] =	ssyncset.done $0x0  }
0x24: {  	[sflag:s7] =	ssyncadd.s32 $0xFFFFE000  }
0x25: {  	v3 =	vld [tilespmem:$0x0];
	_ =	sdelay $0x4  }
0x26: {  	v4 =	vshrl.u32 v3, $0x3  }
0x27: {  	v4 =	vmul.u32 $0x30, v4  }
0x28: {  	v3 =	vand.u32 $0x7, v3  }
0x29: {  	v3 =	vor.u32 v3, v4  }
0x2a: {  	v4 =	vperm.xlane v3, v0;
	_ =	sdelay $0x1  }
0x2b: {  	v4 =	vadd.s32 v1, v4;
	_ =	sdelay $0x3  }
0x2c: {  	v3 =	vperm.xlane v3, v2  }
0x2d: {  	[hbm4b:s2+s3] =	stream.indirect_vreg.scatter [tilespmem:s8], [sflag:$0x1], $0x80, v4, vm0, $0xb8;
	[tilespmem:$0xE080] =	vst v63  }
0x2e: {  	s1 =	rddreg [dreg:$0x8];
	v3 =	vadd.s32 v1, v3  }
0x2f: {  	[hbm4b:s4+s3] =	stream.indirect_vreg.scatter [tilespmem:s1], [sflag:$0x1], $0x80, v4, vm0, $0xb8;
	[tilespmem:$0xE080] =	vst v63  }
0x30: {  	s10 =	rddreg [dreg:$0x9]  }
0x31: {  	[hbm4b:s5+s3] =	stream.indirect_vreg.scatter [tilespmem:s10], [sflag:$0x1], $0x80, v4, vm0, $0xb8;
	[tilespmem:$0xE080] =	vst v63  }
0x32: {  	s1 =	rddreg [dreg:$0xa]  }
0x33: {  	[hbm4b:s2+s3] =	stream.indirect_vreg.scatter [tilespmem:s1], [sflag:$0x1], $0x80, v3, vm0, $0xb8;
	[tilespmem:$0xE080] =	vst v63  }
0x34: {  	s10 =	rddreg [dreg:$0xb]  }
0x35: {  	[hbm4b:s4+s3] =	stream.indirect_vreg.scatter [tilespmem:s10], [sflag:$0x1], $0x80, v3, vm0, $0xb8;
	[tilespmem:$0xE080] =	vst v63  }
0x36: {  	s10 =	simm.s32 $0x2880  }
0x37: {  	[hbm4b:s5+s3] =	stream.indirect_vreg.scatter [tilespmem:s10], [sflag:$0x1], $0x80, v3, vm0, $0xb8;
	[tilespmem:$0xE080] =	vst v63  }
0x38: {  	v3 =	vld [tilespmem:$0x10];
	_ =	sdelay $0x4  }
0x39: {  	v61 =	vshrl.u32 v3, $0x3  }
0x3a: {  	v4 =	vmul.u32 $0x30, v61  }
0x3b: {  	v3 =	vand.u32 $0x7, v3  }
0x3c: {  	v3 =	vor.u32 v3, v4  }
0x3d: {  	v4 =	vperm.xlane v3, v0;
	_ =	sdelay $0x1  }
0x3e: {  	v4 =	vadd.s32 v1, v4;
	_ =	sdelay $0x3  }
0x3f: {  	v3 =	vperm.xlane v3, v2  }
0x40: {  	[hbm4b:s2+s3] =	stream.indirect_vreg.scatter [tilespmem:s11], [sflag:$0x1], $0x80, v4, vm0, $0xb8;
	[tilespmem:$0xE080] =	vst v63  }
0x41: {  	v3 =	vadd.s32 v1, v3  }
0x42: {  	[hbm4b:s4+s3] =	stream.indirect_vreg.scatter [tilespmem:s12], [sflag:$0x1], $0x80, v4, vm0, $0xb8;
	[tilespmem:$0xE080] =	vst v63  }
0x43: {  	_ = 	snop  }
0x44: {  	[hbm4b:s5+s3] =	stream.indirect_vreg.scatter [tilespmem:s13], [sflag:$0x1], $0x80, v4, vm0, $0xb8;
	[tilespmem:$0xE080] =	vst v63  }
0x45: {  	_ = 	snop  }
0x46: {  	[hbm4b:s2+s3] =	stream.indirect_vreg.scatter [tilespmem:s14], [sflag:$0x1], $0x80, v3, vm0, $0xb8;
	[tilespmem:$0xE080] =	vst v63  }
0x47: {  	_ = 	snop  }
0x48: {  	[hbm4b:s4+s3] =	stream.indirect_vreg.scatter [tilespmem:s15], [sflag:$0x1], $0x80, v3, vm0, $0xb8;
	[tilespmem:$0xE080] =	vst v63  }
0x49: {  	_ = 	snop  }
0x4a: {  	[hbm4b:s5+s3] =	stream.indirect_vreg.scatter [tilespmem:s16], [sflag:$0x1], $0x80, v3, vm0, $0xb8;
	[tilespmem:$0xE080] =	vst v63  }
0x4b: {  	v3 =	vld [tilespmem:$0x20];
	_ =	sdelay $0x4  }
0x4c: {  	v62 =	vshrl.u32 v3, $0x3  }
0x4d: {  	v4 =	vmul.u32 $0x30, v62  }
0x4e: {  	v3 =	vand.u32 $0x7, v3  }
0x4f: {  	v3 =	vor.u32 v3, v4  }
0x50: {  	v4 =	vperm.xlane v3, v0;
	_ =	sdelay $0x1  }
0x51: {  	v4 =	vadd.s32 v1, v4;
	_ =	sdelay $0x3  }
0x52: {  	v3 =	vperm.xlane v3, v2  }
0x53: {  	[hbm4b:s2+s3] =	stream.indirect_vreg.scatter [tilespmem:s17], [sflag:$0x1], $0x80, v4, vm0, $0xb8;
	[tilespmem:$0xE080] =	vst v63  }
0x54: {  	v3 =	vadd.s32 v1, v3  }
0x55: {  	[hbm4b:s4+s3] =	stream.indirect_vreg.scatter [tilespmem:s18], [sflag:$0x1], $0x80, v4, vm0, $0xb8;
	[tilespmem:$0xE080] =	vst v63  }
0x56: {  	_ = 	snop  }
0x57: {  	[hbm4b:s5+s3] =	stream.indirect_vreg.scatter [tilespmem:s19], [sflag:$0x1], $0x80, v4, vm0, $0xb8;
	[tilespmem:$0xE080] =	vst v63  }
0x58: {  	_ = 	snop  }
0x59: {  	[hbm4b:s2+s3] =	stream.indirect_vreg.scatter [tilespmem:s20], [sflag:$0x1], $0x80, v3, vm0, $0xb8;
	[tilespmem:$0xE080] =	vst v63  }
0x5a: {  	_ = 	snop  }
0x5b: {  	[hbm4b:s4+s3] =	stream.indirect_vreg.scatter [tilespmem:s21], [sflag:$0x1], $0x80, v3, vm0, $0xb8;
	[tilespmem:$0xE080] =	vst v63  }
0x5c: {  	_ = 	snop  }
0x5d: {  	[hbm4b:s5+s3] =	stream.indirect_vreg.scatter [tilespmem:s22], [sflag:$0x1], $0x80, v3, vm0, $0xb8;
	[tilespmem:$0xE080] =	vst v63  }
0x5e: {  	v3 =	vld [tilespmem:$0x30];
	_ =	sdelay $0x4  }
0x5f: {  	v63 =	vshrl.u32 v3, $0x3  }
0x60: {  	v4 =	vmul.u32 $0x30, v63  }
0x61: {  	v3 =	vand.u32 $0x7, v3  }
0x62: {  	v3 =	vor.u32 v3, v4  }
0x63: {  	v4 =	vperm.xlane v3, v0;
	_ =	sdelay $0x1  }
0x64: {  	v4 =	vadd.s32 v1, v4;
	_ =	sdelay $0x3  }
0x65: {  	v3 =	vperm.xlane v3, v2  }
0x66: {  	[hbm4b:s2+s3] =	stream.indirect_vreg.scatter [tilespmem:s23], [sflag:$0x1], $0x80, v4, vm0, $0xb8;
	[tilespmem:$0xE080] =	vst v63  }
0x67: {  	v3 =	vadd.s32 v1, v3  }
0x68: {  	[hbm4b:s4+s3] =	stream.indirect_vreg.scatter [tilespmem:s24], [sflag:$0x1], $0x80, v4, vm0, $0xb8;
	[tilespmem:$0xE080] =	vst v63  }
0x69: {  	_ = 	snop  }
0x6a: {  	[hbm4b:s5+s3] =	stream.indirect_vreg.scatter [tilespmem:s25], [sflag:$0x1], $0x80, v4, vm0, $0xb8;
	[tilespmem:$0xE080] =	vst v63  }
0x6b: {  	_ = 	snop  }
0x6c: {  	[hbm4b:s2+s3] =	stream.indirect_vreg.scatter [tilespmem:s26], [sflag:$0x1], $0x80, v3, vm0, $0xb8;
	[tilespmem:$0xE080] =	vst v63  }
0x6d: {  	_ = 	snop  }
0x6e: {  	[hbm4b:s4+s3] =	stream.indirect_vreg.scatter [tilespmem:s28], [sflag:$0x1], $0x80, v3, vm0, $0xb8;
	[tilespmem:$0xE080] =	vst v63  }
0x6f: {  	_ = 	snop  }
0x70: {  	[hbm4b:s5+s3] =	stream.indirect_vreg.scatter [tilespmem:s29], [sflag:$0x1], $0x80, v3, vm0, $0xb8;
	[tilespmem:$0xE080] =	vst v63  }
0x71: {  	s10 =	rddreg [dreg:$0x4]  }
0x72: {  	[hbm4b:s10+s30] =	stream.indirect.scatter [tilespmem:s9], [sflag:$0x2], $0x80, s3, s30, $0xb8;
	[tilespmem:$0xE080] =	vst v63  }
0x73: {  	p0 =	sne.s32 s6, $0x1;
	_ =	swait.ge [sflag:s31], $0xC000  }
.Ltmp0:
0x74: {  	[sflag:s31] =	ssyncset.done $0x0;
	(pc) =	sbr.rel @p0 .LBB2_1-.Ltmp0, $4  }
0x75: {  	[sflag:s31] =	ssyncadd.s32 $0xFFFF4000  }
0x76: {  	_ =	swait.ge [sflag:s0], $0x2000  }
0x77: {  	[sflag:s0] =	ssyncset.done $0x0  }
0x78: {  	s6 =	sadd.s32 $0xFFFFFFFF, s6;
	[sflag:s0] =	ssyncadd.s32 $0xFFFFE000  }
0x79: {  	_ =	sfence.sel $0x180000  }
0x7a: {  	[bflag:$0x0] =	sbarrier.arrive $0xFFFF  }
0x7b: {  	_ =	strace $0x90000047  }
0x7c: {  	s0 =	stileid.u32;
	[bflag:$0x2] =	sbarrier.arrive $0xFFFF  }
0x7d: {  	p0 =	sne.s32 s0, $0x0;
	s0 =	rddreg [dreg:$0x3]  }
0x7e: {  	s0 =	sadd.s32 @!p0 $0x100000, s0  }
0x7f: {  	[sflag:s0] =	ssyncadd.tile.s32 @!p0 $0x1;
	_ =	shalt  }
.Lfunc_end2:
_tile_overlayer_lowered:
.L_overlay_start_2:
0x80: {  	(tag) =	ssettag $0x2  }
0x81: {  	s0 =	rddreg [dreg:$0x0];
	s2 =	stileid.u32  }
0x82: {  	s1 =	rddreg [dreg:$0x1];
	p0 =	sne.s32 s2, $0x0  }
0x83: {  	s3 =	rddreg [dreg:$0x2];
	[bflag:$0x3] =	sbarrier.arrive $0xFFFF;
	s2 =	simm.s32 @!p0 $0x1C03  }
0x84: {  	[timem:s3], [sflag:s2] =	dma.local @!p0 [hbm:s0], s1  }
0x85: {  	s0 =	simm.s32 @!p0 $0x3  }
0x86: {  	_ =	swait.ge @!p0 [sflag:s0], s1  }
0x87: {  	s1 =	ssub.s32 @!p0 $0x0, s1;
	[sflag:s0] =	ssyncset.done @!p0 $0x0  }
0x88: {  	[sflag:s0] =	ssyncadd.s32 @!p0 s1  }
0x89: {  	[bflag:$0x3] =	sbarrier.arrive $0xFFFF  }
0x8a: {  	_ =	shalt  }

// kernel: kernel.8.cloned.1.call-start
scs
__scs_entry_jumppad:
0x0: {  	(pc) =	sbr.rel $0x88, $3  }
0x1: {  	(tag) =	ssettag $0x0;
	lr =	simm.s32 $0x1  }
0x2: {  	[smem:$0x3F9A] =	sst lr;
	_ =	strace $0xD0000000  }
0x3: {  	_ = 	snop  }
0x4: {  	_ = 	snop  }
0x5: {  	_ = 	snop  }
0x6: {  	_ = 	snop  }
0x7: {  	_ = 	snop  }
__scs_overlays_trampoline_lowered:
0x8: {  	[smem:$0x3FA9] =	sst s0  }
0x9: {  	[smem:$0x3FAA] =	sst s1  }
0xa: {  	[smem:$0x3FAB] =	sst s2  }
0xb: {  	[smem:$0x3FAC] =	sst s3  }
0xc: {  	[smem:$0x3FAD] =	sst s4  }
0xd: {  	[smem:$0x3FAE] =	sst s5  }
0xe: {  	[smem:$0x3FAF] =	sst s6  }
0xf: {  	[smem:$0x3FB0] =	sst s7  }
0x10: {  	[smem:$0x3FB1] =	sst s8  }
0x11: {  	[smem:$0x3FB2] =	sst s9;
	s0 =	simm.s32 @!p0 $0x0  }
0x12: {  	s1 =	sld [smem:$0x3F98];
	s0 =	simm.s32 @p0 $0x1  }
0x13: {  	[smem:$0x3FB3] =	sst s0;
	s0 =	simm.s32 @!p1 $0x0  }
0x14: {  	s2 =	sld [smem:$0x3F97];
	s0 =	simm.s32 @p1 $0x1  }
0x15: {  	[smem:$0x3FB4] =	sst s0;
	s0 =	simm.s32 @!p2 $0x0  }
0x16: {  	s3 =	sld [smem:$0x3FDB];
	s0 =	simm.s32 @p2 $0x1  }
0x17: {  	s4 =	simm.s32 $0x1BF5;
	[smem:$0x3FB6] =	sst s0  }
0x18: {  	s0 =	sld [smem:$0x3F99];
	_ =	swait.ge [sflag:s4], $0x0  }
0x19: {  	s7 =	sld [smem:$0x3F9A]  }
0x1a: {  	s8 =	sadd.s32 $0xFFFFE003, lr  }
0x1b: {  	s9 =	sadd.s32 $0xFFFFFEF7, lr;
	s5 =	simm.s32 $0xFFFFFFFF;
	p2 =	slt.u32 s8, $0xFFFFF086  }
0x1c: {  	p1 =	slt.u32 s9, $0xF7A;
	s5 =	simm.s32 @!p2 $0x0  }
0x1d: {  	s5 =	simm.s32 @p1 $0x1;
	p0 =	seq.s32 s7, s2  }
0x1e: {  	s7 =	smul.u32 @!p0 $0xF7A, s2;
	p2 =	seq.s32 @!p0 s5, $0x0  }
0x1f: {  	s9 =	smul.u32 $0xF7A, s1;
	s8 =	simm.s32 @!p0 $0x1BF5;
	p2 =	por !p2, p0  }
0x20: {  	[sflag:s8] =	ssyncset.s32 @!p0 $0xFFFFF086;
	s6 =	sadd.s32 @!p0 s3, s7;
	s7 =	simm.s32 @!p0 $0x108  }
0x21: {  	s3 =	sadd.s32 s3, s9;
	s6 =	sadd.s32 @!p0 $0x88, s6;
	s7 =	simm.s32 @p2 $0x1082  }
0x22: {  	[simem:s7], [sflag:s8] =	dma.local @!p0 [hbm:s6], $0xF7A  }
0x23: {  	s9 =	sor.u32 $0xD0000000, s2;
	s6 =	simm.s32 $0x108;
	_ =	swait.ge @!p0 [sflag:s8], $0x0  }
0x24: {  	s3 =	sadd.s32 $0x88, s3;
	s6 =	simm.s32 @!p1 $0x1082;
	[sflag:s4] =	ssyncset.s32 $0xFFFFF086  }
0x25: {  	[simem:s6], [sflag:s4] =	dma.local [hbm:s3], $0xF7A  }
0x26: {  	[smem:$0x3F9A] =	sst s1;
	(tag) =	ssettag s2;
	_ =	strace s9  }
0x27: {  	s1 =	sld [smem:$0x3FAA]  }
0x28: {  	s2 =	sld [smem:$0x3FAB]  }
0x29: {  	s4 =	sld [smem:$0x3FAD]  }
0x2a: {  	p0 =	seq.s32 s5, $0x0;
	s5 =	sld [smem:$0x3FAE]  }
0x2b: {  	s6 =	sld [smem:$0x3FAF]  }
0x2c: {  	s7 =	sld [smem:$0x3FB0]  }
0x2d: {  	s3 =	simm.s32 $0x108;
	s8 =	sld [smem:$0x3FB1]  }
0x2e: {  	s3 =	simm.s32 @!p0 $0x1082;
	s9 =	sld [smem:$0x3FB2]  }
0x2f: {  	lr =	sadd.s32 s0, s3;
	s0 =	sld [smem:$0x3FA9]  }
0x30: {  	s3 =	sld [smem:$0x3FAC]  }
0x31: {  	[smem:$0x3FB5] =	sst s10  }
0x32: {  	s10 =	sld [smem:$0x3FB3];
	_ =	sdelay $0x3  }
0x33: {  	p0 =	seq.s32 s10, $0x1;
	s10 =	sld [smem:$0x3FB5];
	_ =	sdelay $0x3  }
0x34: {  	[smem:$0x3FB5] =	sst s10  }
0x35: {  	s10 =	sld [smem:$0x3FB4];
	_ =	sdelay $0x3  }
0x36: {  	p1 =	seq.s32 s10, $0x1;
	s10 =	sld [smem:$0x3FB5];
	_ =	sdelay $0x3  }
0x37: {  	[smem:$0x3FB5] =	sst s10  }
0x38: {  	s10 =	sld [smem:$0x3FB6]  }
0x39: {  	_ = 	snop;
	(pc) =	sbr.ind lr, $3  }
0x3a: {  	_ = 	snop  }
0x3b: {  	_ = 	snop  }
0x3c: {  	p2 =	seq.s32 s10, $0x1;
	s10 =	sld [smem:$0x3FB5]  }
0x3d: {  	_ =	shalt  }
0x3e: {  	_ =	shalt  }
0x3f: {  	_ =	shalt  }
0x40: {  	_ =	shalt  }
0x41: {  	_ =	shalt  }
0x42: {  	_ =	shalt  }
0x43: {  	_ =	shalt  }
0x44: {  	_ =	shalt  }
0x45: {  	_ =	shalt  }
0x46: {  	_ =	shalt  }
0x47: {  	_ =	shalt  }
0x48: {  	_ =	shalt  }
0x49: {  	_ =	shalt  }
0x4a: {  	_ =	shalt  }
0x4b: {  	_ =	shalt  }
0x4c: {  	_ =	shalt  }
0x4d: {  	_ =	shalt  }
0x4e: {  	_ =	shalt  }
0x4f: {  	_ =	shalt  }
0x50: {  	_ =	shalt  }
0x51: {  	_ =	shalt  }
0x52: {  	_ =	shalt  }
0x53: {  	_ =	shalt  }
0x54: {  	_ =	shalt  }
0x55: {  	_ =	shalt  }
0x56: {  	_ =	shalt  }
0x57: {  	_ =	shalt  }
0x58: {  	_ =	shalt  }
0x59: {  	_ =	shalt  }
0x5a: {  	_ =	shalt  }
0x5b: {  	_ =	shalt  }
0x5c: {  	_ =	shalt  }
0x5d: {  	_ =	shalt  }
0x5e: {  	_ =	shalt  }
0x5f: {  	_ =	shalt  }
0x60: {  	_ =	shalt  }
0x61: {  	_ =	shalt  }
0x62: {  	_ =	shalt  }
0x63: {  	_ =	shalt  }
0x64: {  	_ =	shalt  }
0x65: {  	_ =	shalt  }
0x66: {  	_ =	shalt  }
0x67: {  	_ =	shalt  }
0x68: {  	_ =	shalt  }
0x69: {  	_ =	shalt  }
0x6a: {  	_ =	shalt  }
0x6b: {  	_ =	shalt  }
0x6c: {  	_ =	shalt  }
0x6d: {  	_ =	shalt  }
0x6e: {  	_ =	shalt  }
0x6f: {  	_ =	shalt  }
0x70: {  	_ =	shalt  }
0x71: {  	_ =	shalt  }
0x72: {  	_ =	shalt  }
0x73: {  	_ =	shalt  }
0x74: {  	_ =	shalt  }
0x75: {  	_ =	shalt  }
0x76: {  	_ =	shalt  }
0x77: {  	_ =	shalt  }
0x78: {  	_ =	shalt  }
0x79: {  	_ =	shalt  }
0x7a: {  	_ =	shalt  }
0x7b: {  	_ =	shalt  }
0x7c: {  	_ =	shalt  }
0x7d: {  	_ =	shalt  }
0x7e: {  	_ =	shalt  }
0x7f: {  	_ =	shalt  }
0x80: {  	_ =	shalt  }
0x81: {  	_ =	shalt  }
0x82: {  	_ =	shalt  }
0x83: {  	_ =	shalt  }
0x84: {  	_ =	shalt  }
0x85: {  	_ =	shalt  }
0x86: {  	_ =	shalt  }
0x87: {  	_ =	shalt  }
.Lfunc_end0:
.L_simem_size_0:
called_computation.1_lowered:
.L_overlay_start_0:
0x88: {  	s2 =	sld [smem:$0x3FD9]  }
0x89: {  	s3 =	sld [smem:$0x3FFE];
	_ =	sdelay $0x1  }
0x8a: {  	s1 =	srdreg.scid  }
0x8b: {  	s0 =	sand.u32 $0x1, s1  }
0x8c: {  	s17 =	sshll.u32 s0, $0xA;
	s2 =	sadd.s32 s3, s2  }
0x8d: {  	s2 =	sadd.s32 s2, s17  }
0x8e: {  	[smem:$0x3FC1] =	sst s2  }
0x8f: {  	_ = 	snop  }
0x90: {  	s2 =	sld [smem:$0x3FD0];
	(tm) =	ssettm $0x1  }
0x91: {  	s18 =	sld [smem:$0x3FFB];
	_ =	sdelay $0x3  }
0x92: {  	_ =	strace s18  }
0x93: {  	s3 =	sld [smem:$0x3FFC];
	_ =	sdelay $0x3  }
0x94: {  	_ =	strace s3  }
0x95: {  	s3 =	sld [smem:$0x3FFD];
	_ =	sdelay $0x3  }
0x96: {  	_ =	strace s3  }
0x97: {  	_ =	strace $0x8FFFFFFF  }
0x98: {  	s19 =	sld [smem:$0x3FDB];
	_ =	sdelay $0x1  }
0x99: {  	s4 =	simm.s32 $_scs_section_size  }
0x9a: {  	s5 =	simm.s32 $_size__tile_overlayer_lowered;
	s6 =	simm.s32 $_tile_overlayer_lowered  }
0x9b: {  	s22 =	simm.s32 $0x1BFF;
	s21 =	sshll.u32 s6, $0x1;
	s3 =	sadd.s32 s4, s19  }
0x9c: {  	s7 =	simm.s32 $0x0;
	s20 =	sshll.u32 s5, $0x1;
	s5 =	sadd.s32 s21, s3  }
0x9d: {  	[timem:s7], [sflag:s22] =	dma.local [hbm:s5], s20  }
0x9e: {  	_ =	swait.ge [sflag:s22], s20  }
0x9f: {  	s4 =	ssub.s32 $0x0, s20;
	[sflag:s22] =	ssyncset.done $0x0  }
0xa0: {  	[sflag:s22] =	ssyncadd.s32 s4;
	_ =	sdelay $0x1  }
0xa1: {  	s23 =	simm.s32 $0x1B8B  }
0xa2: {  	_ =	swait.ge [sflag:s23], $0x1  }
0xa3: {  	[sflag:s23] =	ssyncset.done $0x0  }
0xa4: {  	s25 =	simm.s32 $0x1B8E;
	s24 =	sld [smem:$0x3FFE];
	[sflag:s23] =	ssyncadd.s32 $0xFFFFFFFF  }
0xa5: {  	s26 =	simm.s32 $execute0_lowered;
	[smem:$0x3FD2] =	sst s25  }
0xa6: {  	s5 =	sshll.u32 s26, $0x1;
	_ =	strace $0x80000049;
	[dreg:$0x1] =	wrdreg $0xFFFFFFFF  }
0xa7: {  	s28 =	simm.s32 $_size_execute0_lowered;
	s3 =	sadd.s32 s3, s5;
	[dreg:$0x0] =	wrdreg $0x0  }
0xa8: {  	s5 =	sshll.u32 s28, $0x1;
	[dreg:$0x2] =	wrdreg s3  }
0xa9: {  	[dreg:$0x3] =	wrdreg s5  }
0xaa: {  	[dreg:$0x4] =	wrdreg $0xC0  }
0xab: {  	_ =	task [dreg:s7], $0x5FFFF  }
0xac: {  	[dreg:$0x1] =	wrdreg $0xFFFFFFFF  }
0xad: {  	[dreg:$0x0] =	wrdreg $0x60  }
0xae: {  	[dreg:$0x2] =	wrdreg s24  }
0xaf: {  	[dreg:$0x3] =	wrdreg s2  }
0xb0: {  	[dreg:$0x4] =	wrdreg $0x9  }
0xb1: {  	_ =	task.clear_ibuf [dreg:s7], $0x5FFFF;
	_ =	strace $0x90000049  }
0xb2: {  	s29 =	simm.s32 $0x9;
	_ =	strace $0x8000004B  }
0xb3: {  	_ =	swait.ge [sflag:s29], $0x1  }
0xb4: {  	[sflag:s29] =	ssyncadd.s32 $0xFFFFFFFF  }
0xb5: {  	_ =	strace $0x9000004B  }
0xb6: {  	_ =	sfence  }
0xb7: {  	s30 =	sld [smem:$0x0];
	_ =	sdelay $0x2  }
0xb8: {  	s31 =	sshll.u32 s1, $0xD;
	s1 =	sshrl.u32 s1, $0x2  }
0xb9: {  	s3 =	sand.u32 $0x4000, s31;
	s1 =	sadd.s32 s1, s30  }
0xba: {  	s0 =	sor.u32 s3, s0;
	s1 =	sshll.u32 s1, $0x11  }
0xbb: {  	s0 =	sor.u32 s1, s0  }
0xbc: {  	s0 =	sadd.s32 $0x8F2B, s0  }
0xbd: {  	[sflag:s0] =	ssyncadd.remote.s32 $0x1  }
0xbe: {  	_ =	sfence.sel $0xFFFF  }
0xbf: {  	[dreg:$0x0] =	wrdreg $0xFFFFFFFF;
	(pc) =	sbr.abs _section_cstart, $3  }
0xc0: {  	[dreg:$0x1] =	wrdreg $0xFFFFFFFF  }
0xc1: {  	_ =	task.clear_ibuf [dreg:s7], $0x2FFFF;
	_ =	strace $0x9FFFFFFF  }
0xc2: {  	(tm) =	ssettm $0x7FFFFFFF  }
0xc3: {  	_ =	shalt  }
tec
execute0_lowered:
.L_overlay_start_1:
0x0: {  	(tag) =	ssettag $0x1  }
0x1: {  	s0 =	rddreg [dreg:$0x0]  }
0x2: {  	s5 =	rddreg [dreg:$0x1]  }
0x3: {  	s2 =	srdreg.scid;
	s1 =	stileid.u32;
	s26 =	simm.s32 $0x880  }
0x4: {  	s9 =	simm.s32 $0x1080;
	s10 =	simm.s32 $0x1880;
	s11 =	simm.s32 $0x2080  }
0x5: {  	s12 =	simm.s32 $0x2880;
	s13 =	simm.s32 $0x3080;
	s14 =	simm.s32 $0x3880  }
0x6: {  	s15 =	simm.s32 $0x4080;
	s16 =	simm.s32 $0x4880;
	s17 =	simm.s32 $0x5080  }
0x7: {  	s18 =	simm.s32 $0x5880;
	s19 =	simm.s32 $0x6080;
	s20 =	simm.s32 $0x6880  }
0x8: {  	s21 =	simm.s32 $0x7080;
	s22 =	simm.s32 $0x7880;
	s23 =	simm.s32 $0x8080  }
0x9: {  	s28 =	simm.s32 $0xA080;
	s29 =	simm.s32 $0xA880;
	s30 =	simm.s32 $0xB080  }
0xa: {  	s31 =	simm.s32 $0xB880;
	s3 =	sand.u32 $0x1, s2;
	s2 =	simm.s32 $0x0  }
0xb: {  	s4 =	sshll.u32 s1, $0x4;
	s6 =	sshll.u32 s3, $0x3;
	[smem:$0x7FF] =	sst s2  }
0xc: {  	s7 =	ssub.s32 $0x2, s3;
	s3 =	sadd.s32 $0x200, s0;
	s4 =	sor.u32 s6, s4  }
0xd: {  	_ =	strace $0x8000004A;
	s24 =	sshrl.u32 s7, $0x1;
	[dreg:$0x5] =	wrdreg s26  }
0xe: {  	s26 =	simm.s32 $0x9880;
	s8 =	smul.u32 $0x300, s4;
	s6 =	ssub.s32 s7, s24  }
0xf: {  	s4 =	sadd.s32 s0, s4;
	s7 =	simm.s32 $0x2;
	s24 =	simm.s32 $0x8880  }
0x10: {  	v2 =	vlaneseq.u32;
	[dreg:$0x3] =	wrdreg s4;
	s4 =	sadd.s32 $0x300, s0;
	s6 =	smax.u32 s6, $0x1  }
0x11: {  	vm0 =	vmmov $0xffff;
	v1 =	vshrl.u32 v2, $0x3;
	s25 =	sadd.s32 s5, s8;
	s5 =	sadd.s32 $0x400, s0;
	s8 =	simm.s32 $0x80  }
0x12: {  	v0 =	vand.u32 $0x7, v2;
	v2 =	vor.u32 $0x8, v2;
	v1 =	vmul.u32 $0x8, v1;
	s0 =	simm.s32 $0x1;
	[dreg:$0x4] =	wrdreg s25;
	s25 =	simm.s32 $0x9080  }
.LBB2_1:
0x13: {  	s1 =	rddreg [dreg:$0x3]  }
0x14: {  	[tilespmem:s2], [sflag:$0x2] =	stream.linear.gather [hbm4b:s1+s2], $0x40, $0x38;
	[tilespmem:$0xC080] =	vst v63  }
0x15: {  	_ =	swait.ge [sflag:s7], $0x40  }
0x16: {  	[sflag:s7] =	ssyncset.done $0x0  }
0x17: {  	[sflag:s7] =	ssyncadd.s32 $0xFFFFFFC0  }
0x18: {  	v3 =	vld [tilespmem:$0x0];
	_ =	sdelay $0x4  }
0x19: {  	v4 =	vshrl.u32 v3, $0x3  }
0x1a: {  	v4 =	vmul.u32 $0x30, v4  }
0x1b: {  	v3 =	vand.u32 $0x7, v3  }
0x1c: {  	v3 =	vor.u32 v3, v4  }
0x1d: {  	v4 =	vperm.xlane v3, v0;
	_ =	sdelay $0x1  }
0x1e: {  	v4 =	vadd.s32 v1, v4;
	_ =	sdelay $0x3  }
0x1f: {  	v3 =	vperm.xlane v3, v2  }
0x20: {  	[tilespmem:s8], [sflag:$0x1] =	stream.indirect_vreg.gather [hbm4b:s3+s2], $0x80, v4, vm0, $0xb8;
	[tilespmem:$0xC080] =	vst v63  }
0x21: {  	s1 =	rddreg [dreg:$0x5];
	v3 =	vadd.s32 v1, v3  }
0x22: {  	[tilespmem:s1], [sflag:$0x1] =	stream.indirect_vreg.gather [hbm4b:s4+s2], $0x80, v4, vm0, $0xb8;
	[tilespmem:$0xC080] =	vst v63  }
0x23: {  	_ = 	snop  }
0x24: {  	[tilespmem:s9], [sflag:$0x1] =	stream.indirect_vreg.gather [hbm4b:s5+s2], $0x80, v4, vm0, $0xb8;
	[tilespmem:$0xC080] =	vst v63  }
0x25: {  	_ = 	snop  }
0x26: {  	[tilespmem:s10], [sflag:$0x1] =	stream.indirect_vreg.gather [hbm4b:s3+s2], $0x80, v3, vm0, $0xb8;
	[tilespmem:$0xC080] =	vst v63  }
0x27: {  	_ = 	snop  }
0x28: {  	[tilespmem:s11], [sflag:$0x1] =	stream.indirect_vreg.gather [hbm4b:s4+s2], $0x80, v3, vm0, $0xb8;
	[tilespmem:$0xC080] =	vst v63  }
0x29: {  	_ = 	snop  }
0x2a: {  	[tilespmem:s12], [sflag:$0x1] =	stream.indirect_vreg.gather [hbm4b:s5+s2], $0x80, v3, vm0, $0xb8;
	[tilespmem:$0xC080] =	vst v63  }
0x2b: {  	v3 =	vld [tilespmem:$0x10];
	_ =	sdelay $0x4  }
0x2c: {  	v61 =	vshrl.u32 v3, $0x3  }
0x2d: {  	v4 =	vmul.u32 $0x30, v61  }
0x2e: {  	v3 =	vand.u32 $0x7, v3  }
0x2f: {  	v3 =	vor.u32 v3, v4  }
0x30: {  	v4 =	vperm.xlane v3, v0;
	_ =	sdelay $0x1  }
0x31: {  	v4 =	vadd.s32 v1, v4;
	_ =	sdelay $0x3  }
0x32: {  	v3 =	vperm.xlane v3, v2  }
0x33: {  	[tilespmem:s13], [sflag:$0x1] =	stream.indirect_vreg.gather [hbm4b:s3+s2], $0x80, v4, vm0, $0xb8;
	[tilespmem:$0xC080] =	vst v63  }
0x34: {  	v3 =	vadd.s32 v1, v3  }
0x35: {  	[tilespmem:s14], [sflag:$0x1] =	stream.indirect_vreg.gather [hbm4b:s4+s2], $0x80, v4, vm0, $0xb8;
	[tilespmem:$0xC080] =	vst v63  }
0x36: {  	_ = 	snop  }
0x37: {  	[tilespmem:s15], [sflag:$0x1] =	stream.indirect_vreg.gather [hbm4b:s5+s2], $0x80, v4, vm0, $0xb8;
	[tilespmem:$0xC080] =	vst v63  }
0x38: {  	_ = 	snop  }
0x39: {  	[tilespmem:s16], [sflag:$0x1] =	stream.indirect_vreg.gather [hbm4b:s3+s2], $0x80, v3, vm0, $0xb8;
	[tilespmem:$0xC080] =	vst v63  }
0x3a: {  	_ = 	snop  }
0x3b: {  	[tilespmem:s17], [sflag:$0x1] =	stream.indirect_vreg.gather [hbm4b:s4+s2], $0x80, v3, vm0, $0xb8;
	[tilespmem:$0xC080] =	vst v63  }
0x3c: {  	_ = 	snop  }
0x3d: {  	[tilespmem:s18], [sflag:$0x1] =	stream.indirect_vreg.gather [hbm4b:s5+s2], $0x80, v3, vm0, $0xb8;
	[tilespmem:$0xC080] =	vst v63  }
0x3e: {  	v3 =	vld [tilespmem:$0x20];
	_ =	sdelay $0x4  }
0x3f: {  	v62 =	vshrl.u32 v3, $0x3  }
0x40: {  	v4 =	vmul.u32 $0x30, v62  }
0x41: {  	v3 =	vand.u32 $0x7, v3  }
0x42: {  	v3 =	vor.u32 v3, v4  }
0x43: {  	v4 =	vperm.xlane v3, v0;
	_ =	sdelay $0x1  }
0x44: {  	v4 =	vadd.s32 v1, v4;
	_ =	sdelay $0x3  }
0x45: {  	v3 =	vperm.xlane v3, v2  }
0x46: {  	[tilespmem:s19], [sflag:$0x1] =	stream.indirect_vreg.gather [hbm4b:s3+s2], $0x80, v4, vm0, $0xb8;
	[tilespmem:$0xC080] =	vst v63  }
0x47: {  	v3 =	vadd.s32 v1, v3  }
0x48: {  	[tilespmem:s20], [sflag:$0x1] =	stream.indirect_vreg.gather [hbm4b:s4+s2], $0x80, v4, vm0, $0xb8;
	[tilespmem:$0xC080] =	vst v63  }
0x49: {  	_ = 	snop  }
0x4a: {  	[tilespmem:s21], [sflag:$0x1] =	stream.indirect_vreg.gather [hbm4b:s5+s2], $0x80, v4, vm0, $0xb8;
	[tilespmem:$0xC080] =	vst v63  }
0x4b: {  	_ = 	snop  }
0x4c: {  	[tilespmem:s22], [sflag:$0x1] =	stream.indirect_vreg.gather [hbm4b:s3+s2], $0x80, v3, vm0, $0xb8;
	[tilespmem:$0xC080] =	vst v63  }
0x4d: {  	_ = 	snop  }
0x4e: {  	[tilespmem:s23], [sflag:$0x1] =	stream.indirect_vreg.gather [hbm4b:s4+s2], $0x80, v3, vm0, $0xb8;
	[tilespmem:$0xC080] =	vst v63  }
0x4f: {  	_ = 	snop  }
0x50: {  	[tilespmem:s24], [sflag:$0x1] =	stream.indirect_vreg.gather [hbm4b:s5+s2], $0x80, v3, vm0, $0xb8;
	[tilespmem:$0xC080] =	vst v63  }
0x51: {  	v3 =	vld [tilespmem:$0x30];
	_ =	sdelay $0x4  }
0x52: {  	v63 =	vshrl.u32 v3, $0x3  }
0x53: {  	v4 =	vmul.u32 $0x30, v63  }
0x54: {  	v3 =	vand.u32 $0x7, v3  }
0x55: {  	v3 =	vor.u32 v3, v4  }
0x56: {  	v4 =	vperm.xlane v3, v0;
	_ =	sdelay $0x1  }
0x57: {  	v4 =	vadd.s32 v1, v4;
	_ =	sdelay $0x3  }
0x58: {  	v3 =	vperm.xlane v3, v2  }
0x59: {  	[tilespmem:s25], [sflag:$0x1] =	stream.indirect_vreg.gather [hbm4b:s3+s2], $0x80, v4, vm0, $0xb8;
	[tilespmem:$0xC080] =	vst v63  }
0x5a: {  	v3 =	vadd.s32 v1, v3  }
0x5b: {  	[tilespmem:s26], [sflag:$0x1] =	stream.indirect_vreg.gather [hbm4b:s4+s2], $0x80, v4, vm0, $0xb8;
	[tilespmem:$0xC080] =	vst v63  }
0x5c: {  	_ = 	snop  }
0x5d: {  	[tilespmem:s28], [sflag:$0x1] =	stream.indirect_vreg.gather [hbm4b:s5+s2], $0x80, v4, vm0, $0xb8;
	[tilespmem:$0xC080] =	vst v63  }
0x5e: {  	_ = 	snop  }
0x5f: {  	[tilespmem:s29], [sflag:$0x1] =	stream.indirect_vreg.gather [hbm4b:s3+s2], $0x80, v3, vm0, $0xb8;
	[tilespmem:$0xC080] =	vst v63  }
0x60: {  	_ = 	snop  }
0x61: {  	[tilespmem:s30], [sflag:$0x1] =	stream.indirect_vreg.gather [hbm4b:s4+s2], $0x80, v3, vm0, $0xb8;
	[tilespmem:$0xC080] =	vst v63  }
0x62: {  	_ = 	snop  }
0x63: {  	[tilespmem:s31], [sflag:$0x1] =	stream.indirect_vreg.gather [hbm4b:s5+s2], $0x80, v3, vm0, $0xb8;
	[tilespmem:$0xC080] =	vst v63  }
0x64: {  	_ =	swait.ge [sflag:s0], $0xC000  }
0x65: {  	p0 =	sne.s32 s6, $0x1;
	[sflag:s0] =	ssyncset.done $0x0  }
.Ltmp0:
0x66: {  	s1 =	rddreg [dreg:$0x4];
	[sflag:s0] =	ssyncadd.s32 $0xFFFF4000;
	(pc) =	sbr.rel @p0 .LBB2_1-.Ltmp0, $4  }
0x67: {  	[hbm4b:s1+s2] =	stream.linear.scatter [tilespmem:s8], [sflag:$0x2], $0xC000, $0x38;
	[tilespmem:$0xC080] =	vst v63  }
0x68: {  	_ =	swait.ge [sflag:s7], $0xC000  }
0x69: {  	[sflag:s7] =	ssyncset.done $0x0  }
0x6a: {  	s6 =	sadd.s32 $0xFFFFFFFF, s6;
	[sflag:s7] =	ssyncadd.s32 $0xFFFF4000  }
0x6b: {  	_ =	sfence.sel $0x180000  }
0x6c: {  	[bflag:$0x0] =	sbarrier.arrive $0xFFFF  }
0x6d: {  	_ =	strace $0x9000004A  }
0x6e: {  	s0 =	stileid.u32;
	[bflag:$0x2] =	sbarrier.arrive $0xFFFF  }
0x6f: {  	p0 =	sne.s32 s0, $0x0;
	s0 =	rddreg [dreg:$0x2]  }
0x70: {  	s0 =	sadd.s32 @!p0 $0x100000, s0  }
0x71: {  	[sflag:s0] =	ssyncadd.tile.s32 @!p0 $0x1;
	_ =	shalt  }
.Lfunc_end2:
_tile_overlayer_lowered:
.L_overlay_start_2:
0x72: {  	(tag) =	ssettag $0x2  }
0x73: {  	s0 =	rddreg [dreg:$0x0];
	s2 =	stileid.u32  }
0x74: {  	s1 =	rddreg [dreg:$0x1];
	p0 =	sne.s32 s2, $0x0  }
0x75: {  	s3 =	rddreg [dreg:$0x2];
	[bflag:$0x3] =	sbarrier.arrive $0xFFFF;
	s2 =	simm.s32 @!p0 $0x1C02  }
0x76: {  	[timem:s3], [sflag:s2] =	dma.local @!p0 [hbm:s0], s1  }
0x77: {  	s0 =	simm.s32 @!p0 $0x2  }
0x78: {  	_ =	swait.ge @!p0 [sflag:s0], s1  }
0x79: {  	s1 =	ssub.s32 @!p0 $0x0, s1;
	[sflag:s0] =	ssyncset.done @!p0 $0x0  }
0x7a: {  	[sflag:s0] =	ssyncadd.s32 @!p0 s1  }
0x7b: {  	[bflag:$0x3] =	sbarrier.arrive $0xFFFF  }
0x7c: {  	_ =	shalt  }

</sc_bundles>
